<compile_context>
chip_gen: v7x
topology: tpu7x:2x2x1
jax: 0.10.2.dev20260603
libtpu: 0.0.44.dev20260713+nightly
codegen_flags: <defaults>
</compile_context>

<pallas_src>
import functools

import jax
import jax.numpy as jnp
from jax import lax
from jax.experimental import pallas as pl
from jax.experimental.pallas import tpu as pltpu
from jax.experimental.pallas import tpu_sc as plsc

N_NODES = 10000
N_EDGES = 320000
D = 128
LANES = 16

NUM_WORKERS = 32
EDGES_PER_WORKER = N_EDGES // NUM_WORKERS
CHUNK = 80
NUM_CHUNKS = EDGES_PER_WORKER // CHUNK

_C3 = -0.16666657091510467
_C5 = 0.008333017212833213
_C7 = -0.00019806612153073144
_C9 = 2.6000528821137903e-06
_MAGIC = 12582912.0
_INV_PI = 0.31830987334251404
_PI_HI = 3.1415927410125732
_PI_LO = -8.742277657347586e-08


def _wq_body(w_ref, out_ref):
    out_ref[...] = w_ref[...].astype(jnp.bfloat16).astype(jnp.float32)


_quantize_w = pl.pallas_call(
    _wq_body,
    out_shape=jax.ShapeDtypeStruct((1, D), jnp.float32),
)


def _sin_poly(x):
    y = x * _INV_PI
    t = y + _MAGIC
    kf = t - _MAGIC
    ki = lax.bitcast_convert_type(t, jnp.int32)
    r = x - kf * _PI_HI
    r = r - kf * _PI_LO
    r2 = r * r
    p = jnp.float32(_C9)
    p = p * r2 + _C7
    p = p * r2 + _C5
    p = p * r2 + _C3
    p = p * r2
    s = r + r * p
    sgn = (ki & 1) << 31
    return lax.bitcast_convert_type(
        lax.bitcast_convert_type(s, jnp.int32) ^ sgn, jnp.float32)


def _bf16_rtne(x):
    u = lax.bitcast_convert_type(x, jnp.int32)
    u = u + 0x7FFF + ((u >> 16) & 1)
    u = u & jnp.int32(-65536)
    return lax.bitcast_convert_type(u, jnp.float32)


_sc_mesh = plsc.VectorSubcoreMesh(
    core_axis_name="c", subcore_axis_name="s", num_cores=2, num_subcores=16)


@functools.partial(
    pl.kernel,
    out_type=jax.ShapeDtypeStruct((N_EDGES,), jnp.float32),
    mesh=_sc_mesh,
    scratch_types=[
        pltpu.VMEM((CHUNK,), jnp.int32),
        pltpu.VMEM((CHUNK,), jnp.int32),
        pltpu.VMEM((CHUNK, D), jnp.float32),
        pltpu.VMEM((CHUNK, D), jnp.float32),
        pltpu.VMEM((D,), jnp.float32),
        pltpu.VMEM((CHUNK,), jnp.float32),
        pltpu.VMEM((LANES,), jnp.float32),
        pltpu.SemaphoreType.DMA,
    ],
    compiler_params=pltpu.CompilerParams(
        use_tc_tiling_on_sc=False, needs_layout_passes=False),
)
def _sc_score(h_hbm, src_hbm, dst_hbm, wq_hbm, out_hbm,
              src_v, dst_v, hs_v, ho_v, wq_v, prob_v, tmp_v, sem):
    wid = lax.axis_index("s") * 2 + lax.axis_index("c")
    base = wid * EDGES_PER_WORKER
    lane = lax.iota(jnp.int32, LANES)
    swap = lane ^ 1
    pltpu.sync_copy(wq_hbm, wq_v)
    wqs = [wq_v[pl.ds(LANES * j, LANES)] for j in range(D // LANES)]

    def chunk_body(g, carry):
        off = base + g * CHUNK
        pltpu.sync_copy(src_hbm.at[pl.ds(off, CHUNK)], src_v)
        pltpu.sync_copy(dst_hbm.at[pl.ds(off, CHUNK)], dst_v)
        cp_s = pltpu.async_copy(h_hbm.at[src_v], hs_v, sem)
        cp_d = pltpu.async_copy(h_hbm.at[dst_v], ho_v, sem)
        cp_s.wait()
        cp_d.wait()

        def group_body(t, c):
            def edge_body(k, sv):
                e = t * LANES + k
                acc = jnp.zeros((LANES,), jnp.float32)
                for j in range(D // LANES):
                    s = hs_v[e, pl.ds(LANES * j, LANES)]
                    o = ho_v[e, pl.ds(LANES * j, LANES)]
                    q = _bf16_rtne(_sin_poly(s - o))
                    acc = acc + q * wqs[j]
                return jnp.where(lane == k, jnp.sum(acc), sv)

            sv = lax.fori_loop(0, LANES, edge_body,
                               jnp.zeros((LANES,), jnp.float32), unroll=2)
            tmp_v[...] = sv
            xs = plsc.load_gather(tmp_v, [swap])
            prob_v[pl.ds(t * LANES, LANES)] = 1.0 / (1.0 + jnp.exp(xs - sv))
            return c

        lax.fori_loop(0, CHUNK // LANES, group_body, 0)
        pltpu.sync_copy(prob_v, out_hbm.at[pl.ds(off, CHUNK)])
        return carry

    lax.fori_loop(0, NUM_CHUNKS, chunk_body, 0)


def kernel(h, edge_index, W_w, W_b):
    del W_b
    ei = edge_index.astype(jnp.int32)
    wq = _quantize_w(W_w)
    probs = _sc_score(h, ei[0], ei[1], wq[0])
    score = probs.reshape(-1, 1)
    return (score, score > 0.5)

# --- scband reference (transcript-rebuilt; emitter-appended) ---
"""Pipeline reference for scband-sine-predictor-48412871360529 (READ-ONLY COPY).

The authoritative reference and input builder live on the scoring server;
editing this copy changes nothing except your own understanding.
"""

import jax, jax.numpy as jnp
import numpy as np

N_NODES = 10000
N_EDGES = 320000
D_FEAT = 128


def setup_inputs(seed: int = 0) -> dict:
    key = jax.random.key(seed)
    k1, k2, k3, k4 = jax.random.split(key, 4)
    h = jax.random.normal(k1, (N_NODES, D_FEAT), dtype=jnp.float32)
    edge_index = jax.random.randint(k2, (2, N_EDGES), 0, N_NODES).astype(jnp.int64)
    # nn.Linear(in_features=128, out_features=1): weight [1, 128], bias [1]
    bound = 1.0 / np.sqrt(D_FEAT)
    W_w = jax.random.uniform(k3, (1, D_FEAT), minval=-bound, maxval=bound, dtype=jnp.float32)
    W_b = jax.random.uniform(k4, (1,), minval=-bound, maxval=bound, dtype=jnp.float32)
    return {"h": h, "edge_index": edge_index, "W_w": W_w, "W_b": W_b}


def reference(h, edge_index, W_w, W_b):
    # s = h[graph.edges()[0]]; o = h[graph.edges()[1]]
    s = jnp.take(h, edge_index[0], axis=0)  # [E, d] gather
    o = jnp.take(h, edge_index[1], axis=0)  # [E, d] gather
    # score = self.W(torch.sin(s - o))
    score = jnp.sin(s - o) @ W_w.T + W_b  # [E, 1]
    # score = F.softmax(score.reshape(-1, 2), dim=1).reshape(-1, 1)
    score = jax.nn.softmax(score.reshape(-1, 2), axis=1).reshape(-1, 1)
    return (score, score > 0.5)

if __name__ == "__main__":
    import jax
    _d = setup_inputs()
    print(jax.jit(kernel)(*tuple(_d.values())))

</pallas_src>

<mosaic_0001>
#map = affine_map<(d0, d1) -> (0, 0)>
#map1 = affine_map<(d0, d1) -> (0)>
module attributes {stable_mosaic.version = 14 : i64} {
  func.func @_sc_score(%arg0: i32, %arg1: i32, %arg2: memref<10000x128xf32, #tpu.memory_space<hbm>>, %arg3: memref<320000xi32, #tpu.memory_space<hbm>>, %arg4: memref<320000xi32, #tpu.memory_space<hbm>>, %arg5: memref<128xf32, #tpu.memory_space<hbm>>, %arg6: memref<320000xf32, #tpu.memory_space<hbm>>, %arg7: memref<80xi32, #tpu.memory_space<vmem>>, %arg8: memref<80xi32, #tpu.memory_space<vmem>>, %arg9: memref<80x128xf32, #tpu.memory_space<vmem>>, %arg10: memref<80x128xf32, #tpu.memory_space<vmem>>, %arg11: memref<128xf32, #tpu.memory_space<vmem>>, %arg12: memref<80xf32, #tpu.memory_space<vmem>>, %arg13: memref<16xf32, #tpu.memory_space<vmem>>, %arg14: memref<!tpu.dma_semaphore, #tpu.memory_space<semaphore_mem>>) attributes {dimension_semantics = [#tpu.dimension_semantics<core_parallel>, #tpu.dimension_semantics<subcore_parallel>], iteration_bounds = array<i64: 2, 16>, scalar_prefetch = 0 : i64, scratch_operands = 8 : i64, tpu.core_type = #tpu.core_type<sc_vector_subcore>, window_params = [{transform_indices = #map}, {transform_indices = #map1}, {transform_indices = #map1}, {transform_indices = #map1}, {transform_indices = #map1}]} {
    %mul3A = arith.constant 2 : i32
    %mul3A_0 = arith.muli %arg1, %mul3A : i32
    %add3A = arith.addi %mul3A_0, %arg0 : i32
    %mul3A_1 = arith.constant 10000 : i32
    %mul3A_2 = arith.muli %add3A, %mul3A_1 : i32
    %iota3A = tpu.iota {dimensions = array<i32: 0>} : vector<16xi32>
    %xor3A = arith.constant 1 : i32
    %xor3A_3 = vector.broadcast %xor3A : i32 to vector<16xi32>
    %xor3A_4 = arith.xori %iota3A, %xor3A_3 : vector<16xi32>
    "tpu.region"() ({
      %run_scoped3A = tpu.sem_alloc : memref<!tpu.dma_semaphore, #tpu.memory_space<semaphore_mem>>
      tpu.enqueue_dma source(%arg5 : memref<128xf32, #tpu.memory_space<hbm>>) target(%arg11 : memref<128xf32, #tpu.memory_space<vmem>>) target_semaphore(%run_scoped3A : memref<!tpu.dma_semaphore, #tpu.memory_space<semaphore_mem>>)
      tpu.wait_dma2 semaphore(%run_scoped3A : memref<!tpu.dma_semaphore, #tpu.memory_space<semaphore_mem>>) src(%arg5 : memref<128xf32, #tpu.memory_space<hbm>>) dst(%arg11 : memref<128xf32, #tpu.memory_space<vmem>>)
      tpu.yield
    }) : () -> ()
    %get3A = arith.constant 0 : index
    %get3A_5 = tpu.vector_load %arg11[%get3A] {strides = array<i32>} : memref<128xf32, #tpu.memory_space<vmem>>, vector<16xf32>,
    %get3A_6 = arith.constant 16 : index
    %get3A_7 = tpu.vector_load %arg11[%get3A_6] {strides = array<i32>} : memref<128xf32, #tpu.memory_space<vmem>>, vector<16xf32>,
    %get3A_8 = arith.constant 32 : index
    %get3A_9 = tpu.vector_load %arg11[%get3A_8] {strides = array<i32>} : memref<128xf32, #tpu.memory_space<vmem>>, vector<16xf32>,
    %get3A_10 = arith.constant 48 : index
    %get3A_11 = tpu.vector_load %arg11[%get3A_10] {strides = array<i32>} : memref<128xf32, #tpu.memory_space<vmem>>, vector<16xf32>,
    %get3A_12 = arith.constant 64 : index
    %get3A_13 = tpu.vector_load %arg11[%get3A_12] {strides = array<i32>} : memref<128xf32, #tpu.memory_space<vmem>>, vector<16xf32>,
    %get3A_14 = arith.constant 80 : index
    %get3A_15 = tpu.vector_load %arg11[%get3A_14] {strides = array<i32>} : memref<128xf32, #tpu.memory_space<vmem>>, vector<16xf32>,
    %get3A_16 = arith.constant 96 : index
    %get3A_17 = tpu.vector_load %arg11[%get3A_16] {strides = array<i32>} : memref<128xf32, #tpu.memory_space<vmem>>, vector<16xf32>,
    %get3A_18 = arith.constant 112 : index
    %get3A_19 = tpu.vector_load %arg11[%get3A_18] {strides = array<i32>} : memref<128xf32, #tpu.memory_space<vmem>>, vector<16xf32>,
    %scan3A = arith.constant 0 : i32
    %scan3A_20 = arith.constant 0 : i32
    %scan3A_21 = arith.constant 125 : i32
    %scan3A_22 = arith.addi %scan3A_20, %scan3A_21 : i32
    %scan3A_23 = arith.constant 1 : i32
    scf.for %scan3A_25 = %scan3A_20 to %scan3A_22 step %scan3A_23  : i32 {
      %mul3A_26 = arith.constant 80 : i32
      %mul3A_27 = arith.muli %scan3A_25, %mul3A_26 : i32
      %add3A_28 = arith.addi %mul3A_2, %mul3A_27 : i32
      "tpu.region"() ({
        %run_scoped3A = tpu.sem_alloc : memref<!tpu.dma_semaphore, #tpu.memory_space<semaphore_mem>>
        %dma_start3A_45 = tpu.memref_slice %arg3[%add3A_28] : memref<320000xi32, #tpu.memory_space<hbm>> -> memref<80xi32, #tpu.memory_space<hbm>>
        %dma_start3A_46 = tpu.memref_slice %arg3[%add3A_28] : memref<320000xi32, #tpu.memory_space<hbm>> -> memref<80xi32, #tpu.memory_space<hbm>>
        tpu.enqueue_dma source(%dma_start3A_46 : memref<80xi32, #tpu.memory_space<hbm>>) target(%arg7 : memref<80xi32, #tpu.memory_space<vmem>>) target_semaphore(%run_scoped3A : memref<!tpu.dma_semaphore, #tpu.memory_space<semaphore_mem>>)
        %dma_wait3A_47 = tpu.memref_slice %arg3[%add3A_28] : memref<320000xi32, #tpu.memory_space<hbm>> -> memref<80xi32, #tpu.memory_space<hbm>>
        %dma_wait3A_48 = tpu.memref_slice %arg3[%add3A_28] : memref<320000xi32, #tpu.memory_space<hbm>> -> memref<80xi32, #tpu.memory_space<hbm>>
        tpu.wait_dma2 semaphore(%run_scoped3A : memref<!tpu.dma_semaphore, #tpu.memory_space<semaphore_mem>>) src(%dma_wait3A_48 : memref<80xi32, #tpu.memory_space<hbm>>) dst(%arg7 : memref<80xi32, #tpu.memory_space<vmem>>)
        tpu.yield
      }) : () -> ()
      "tpu.region"() ({
        %run_scoped3A = tpu.sem_alloc : memref<!tpu.dma_semaphore, #tpu.memory_space<semaphore_mem>>
        %dma_start3A_45 = tpu.memref_slice %arg4[%add3A_28] : memref<320000xi32, #tpu.memory_space<hbm>> -> memref<80xi32, #tpu.memory_space<hbm>>
        %dma_start3A_46 = tpu.memref_slice %arg4[%add3A_28] : memref<320000xi32, #tpu.memory_space<hbm>> -> memref<80xi32, #tpu.memory_space<hbm>>
        tpu.enqueue_dma source(%dma_start3A_46 : memref<80xi32, #tpu.memory_space<hbm>>) target(%arg8 : memref<80xi32, #tpu.memory_space<vmem>>) target_semaphore(%run_scoped3A : memref<!tpu.dma_semaphore, #tpu.memory_space<semaphore_mem>>)
        %dma_wait3A_47 = tpu.memref_slice %arg4[%add3A_28] : memref<320000xi32, #tpu.memory_space<hbm>> -> memref<80xi32, #tpu.memory_space<hbm>>
        %dma_wait3A_48 = tpu.memref_slice %arg4[%add3A_28] : memref<320000xi32, #tpu.memory_space<hbm>> -> memref<80xi32, #tpu.memory_space<hbm>>
        tpu.wait_dma2 semaphore(%run_scoped3A : memref<!tpu.dma_semaphore, #tpu.memory_space<semaphore_mem>>) src(%dma_wait3A_48 : memref<80xi32, #tpu.memory_space<hbm>>) dst(%arg8 : memref<80xi32, #tpu.memory_space<vmem>>)
        tpu.yield
      }) : () -> ()
      %dma_start3A = arith.constant 0 : i32
      %dma_start3A_29 = arith.constant 0 : i32
      %dma_start3A_30 = tpu.memref_slice %arg2[%dma_start3A, %dma_start3A_29] : memref<10000x128xf32, #tpu.memory_space<hbm>> -> memref<10000x128xf32, #tpu.memory_space<hbm>>
      tpu.enqueue_indirect_dma source(%dma_start3A_30 : memref<10000x128xf32, #tpu.memory_space<hbm>>) target(%arg9 : memref<80x128xf32, #tpu.memory_space<vmem>>) offsets(%arg7 : memref<80xi32, #tpu.memory_space<vmem>>) semaphore(%arg14 : memref<!tpu.dma_semaphore, #tpu.memory_space<semaphore_mem>>)
      %dma_start3A_31 = arith.constant 0 : i32
      %dma_start3A_32 = arith.constant 0 : i32
      %dma_start3A_33 = tpu.memref_slice %arg2[%dma_start3A_31, %dma_start3A_32] : memref<10000x128xf32, #tpu.memory_space<hbm>> -> memref<10000x128xf32, #tpu.memory_space<hbm>>
      tpu.enqueue_indirect_dma source(%dma_start3A_33 : memref<10000x128xf32, #tpu.memory_space<hbm>>) target(%arg10 : memref<80x128xf32, #tpu.memory_space<vmem>>) offsets(%arg8 : memref<80xi32, #tpu.memory_space<vmem>>) semaphore(%arg14 : memref<!tpu.dma_semaphore, #tpu.memory_space<semaphore_mem>>)
      %dma_wait3A = arith.constant 0 : i32
      %dma_wait3A_34 = arith.constant 0 : i32
      %dma_wait3A_35 = tpu.memref_slice %arg2[%dma_wait3A, %dma_wait3A_34] : memref<10000x128xf32, #tpu.memory_space<hbm>> -> memref<10000x128xf32, #tpu.memory_space<hbm>>
      tpu.wait_indirect_dma semaphore(%arg14 : memref<!tpu.dma_semaphore, #tpu.memory_space<semaphore_mem>>) src(%dma_wait3A_35 : memref<10000x128xf32, #tpu.memory_space<hbm>>) dst(%arg9 : memref<80x128xf32, #tpu.memory_space<vmem>>)
      %dma_wait3A_36 = arith.constant 0 : i32
      %dma_wait3A_37 = arith.constant 0 : i32
      %dma_wait3A_38 = tpu.memref_slice %arg2[%dma_wait3A_36, %dma_wait3A_37] : memref<10000x128xf32, #tpu.memory_space<hbm>> -> memref<10000x128xf32, #tpu.memory_space<hbm>>
      tpu.wait_indirect_dma semaphore(%arg14 : memref<!tpu.dma_semaphore, #tpu.memory_space<semaphore_mem>>) src(%dma_wait3A_38 : memref<10000x128xf32, #tpu.memory_space<hbm>>) dst(%arg10 : memref<80x128xf32, #tpu.memory_space<vmem>>)
      %scan3A_39 = arith.constant 0 : i32
      %scan3A_40 = arith.constant 0 : i32
      %scan3A_41 = arith.constant 5 : i32
      %scan3A_42 = arith.addi %scan3A_40, %scan3A_41 : i32
      %scan3A_43 = arith.constant 1 : i32
      scf.for %scan3A_45 = %scan3A_40 to %scan3A_42 step %scan3A_43  : i32 {
        %broadcast_in_dim3A = arith.constant 0.000000e+00 : f32
        %broadcast_in_dim3A_46 = vector.broadcast %broadcast_in_dim3A : f32 to vector<16xf32>
        %scan3A_47 = arith.constant 0 : i32
        %scan3A_48 = arith.constant 16 : i32
        %scan3A_49 = arith.addi %scan3A_47, %scan3A_48 : i32
        %scan3A_50 = arith.constant 2 : i32
        %scan3A_51 = scf.for %scan3A_63 = %scan3A_47 to %scan3A_49 step %scan3A_50 iter_args(%scan3A_64 = %broadcast_in_dim3A_46) -> (vector<16xf32>)  : i32 {
          %mul3A_65 = arith.constant 16 : i32
          %mul3A_66 = arith.muli %scan3A_45, %mul3A_65 : i32
          %add3A_67 = arith.addi %mul3A_66, %scan3A_63 : i32
          %broadcast_in_dim3A_68 = arith.constant 0.000000e+00 : f32
          %broadcast_in_dim3A_69 = vector.broadcast %broadcast_in_dim3A_68 : f32 to vector<16xf32>
          %get3A_70 = arith.index_cast %add3A_67 : i32 to index
          %get3A_71 = arith.constant 0 : index
          %get3A_72 = tpu.vector_load %arg9[%get3A_70, %get3A_71] {strides = array<i32>} : memref<80x128xf32, #tpu.memory_space<vmem>>, vector<16xf32>,
          %get3A_73 = arith.index_cast %add3A_67 : i32 to index
          %get3A_74 = arith.constant 0 : index
          %get3A_75 = tpu.vector_load %arg10[%get3A_73, %get3A_74] {strides = array<i32>} : memref<80x128xf32, #tpu.memory_space<vmem>>, vector<16xf32>,
          %sub3A_76 = arith.subf %get3A_72, %get3A_75 : vector<16xf32>
          %mul3A_77 = arith.constant 0.318309873 : f32
          %mul3A_78 = vector.broadcast %mul3A_77 : f32 to vector<16xf32>
          %mul3A_79 = arith.mulf %sub3A_76, %mul3A_78 : vector<16xf32>
          %add3A_80 = arith.constant 0x4B400000 : f32
          %add3A_81 = vector.broadcast %add3A_80 : f32 to vector<16xf32>
          %add3A_82 = arith.addf %mul3A_79, %add3A_81 : vector<16xf32>
          %sub3A_83 = arith.constant 0x4B400000 : f32
          %sub3A_84 = vector.broadcast %sub3A_83 : f32 to vector<16xf32>
          %sub3A_85 = arith.subf %add3A_82, %sub3A_84 : vector<16xf32>
          %bitcast_convert_type3A = tpu.bitcast %add3A_82 : vector<16xf32> -> vector<16xi32>
          %mul3A_86 = arith.constant 3.14159274 : f32
          %mul3A_87 = vector.broadcast %mul3A_86 : f32 to vector<16xf32>
          %mul3A_88 = arith.mulf %sub3A_85, %mul3A_87 : vector<16xf32>
          %sub3A_89 = arith.subf %sub3A_76, %mul3A_88 : vector<16xf32>
          %mul3A_90 = arith.constant -8.74227765E-8 : f32
          %mul3A_91 = vector.broadcast %mul3A_90 : f32 to vector<16xf32>
          %mul3A_92 = arith.mulf %sub3A_85, %mul3A_91 : vector<16xf32>
          %sub3A_93 = arith.subf %sub3A_89, %mul3A_92 : vector<16xf32>
          %mul3A_94 = arith.mulf %sub3A_93, %sub3A_93 : vector<16xf32>
          %mul3A_95 = arith.constant 2.60005299E-6 : f32
          %mul3A_96 = vector.broadcast %mul3A_95 : f32 to vector<16xf32>
          %mul3A_97 = arith.mulf %mul3A_96, %mul3A_94 : vector<16xf32>
          %add3A_98 = arith.constant -1.98066118E-4 : f32
          %add3A_99 = vector.broadcast %add3A_98 : f32 to vector<16xf32>
          %add3A_100 = arith.addf %mul3A_97, %add3A_99 : vector<16xf32>
          %mul3A_101 = arith.mulf %add3A_100, %mul3A_94 : vector<16xf32>
          %add3A_102 = arith.constant 0.00833301712 : f32
          %add3A_103 = vector.broadcast %add3A_102 : f32 to vector<16xf32>
          %add3A_104 = arith.addf %mul3A_101, %add3A_103 : vector<16xf32>
          %mul3A_105 = arith.mulf %add3A_104, %mul3A_94 : vector<16xf32>
          %add3A_106 = arith.constant -0.166666567 : f32
          %add3A_107 = vector.broadcast %add3A_106 : f32 to vector<16xf32>
          %add3A_108 = arith.addf %mul3A_105, %add3A_107 : vector<16xf32>
          %mul3A_109 = arith.mulf %add3A_108, %mul3A_94 : vector<16xf32>
          %mul3A_110 = arith.mulf %sub3A_93, %mul3A_109 : vector<16xf32>
          %add3A_111 = arith.addf %sub3A_93, %mul3A_110 : vector<16xf32>
          %and3A = arith.constant 1 : i32
          %and3A_112 = vector.broadcast %and3A : i32 to vector<16xi32>
          %and3A_113 = arith.andi %bitcast_convert_type3A, %and3A_112 : vector<16xi32>
          %shift_left3A = arith.constant 31 : i32
          %shift_left3A_114 = vector.broadcast %shift_left3A : i32 to vector<16xi32>
          %shift_left3A_115 = arith.shli %and3A_113, %shift_left3A_114 : vector<16xi32>
          %bitcast_convert_type3A_116 = tpu.bitcast %add3A_111 : vector<16xf32> -> vector<16xi32>
          %xor3A_117 = arith.xori %bitcast_convert_type3A_116, %shift_left3A_115 : vector<16xi32>
          %bitcast_convert_type3A_118 = tpu.bitcast %xor3A_117 : vector<16xi32> -> vector<16xf32>
          %bitcast_convert_type3A_119 = tpu.bitcast %bitcast_convert_type3A_118 : vector<16xf32> -> vector<16xi32>
          %add3A_120 = arith.constant 32767 : i32
          %add3A_121 = vector.broadcast %add3A_120 : i32 to vector<16xi32>
          %add3A_122 = arith.addi %bitcast_convert_type3A_119, %add3A_121 : vector<16xi32>
          %shift_right_arithmetic3A = arith.constant 16 : i32
          %shift_right_arithmetic3A_123 = vector.broadcast %shift_right_arithmetic3A : i32 to vector<16xi32>
          %shift_right_arithmetic3A_124 = arith.shrsi %bitcast_convert_type3A_119, %shift_right_arithmetic3A_123 : vector<16xi32>
          %and3A_125 = arith.constant 1 : i32
          %and3A_126 = vector.broadcast %and3A_125 : i32 to vector<16xi32>
          %and3A_127 = arith.andi %shift_right_arithmetic3A_124, %and3A_126 : vector<16xi32>
          %add3A_128 = arith.addi %add3A_122, %and3A_127 : vector<16xi32>
          %and3A_129 = arith.constant -65536 : i32
          %and3A_130 = vector.broadcast %and3A_129 : i32 to vector<16xi32>
          %and3A_131 = arith.andi %add3A_128, %and3A_130 : vector<16xi32>
          %bitcast_convert_type3A_132 = tpu.bitcast %and3A_131 : vector<16xi32> -> vector<16xf32>
          %mul3A_133 = arith.mulf %bitcast_convert_type3A_132, %get3A_5 : vector<16xf32>
          %add3A_134 = arith.addf %broadcast_in_dim3A_69, %mul3A_133 : vector<16xf32>
          %get3A_135 = arith.index_cast %add3A_67 : i32 to index
          %get3A_136 = arith.constant 16 : index
          %get3A_137 = tpu.vector_load %arg9[%get3A_135, %get3A_136] {strides = array<i32>} : memref<80x128xf32, #tpu.memory_space<vmem>>, vector<16xf32>,
          %get3A_138 = arith.index_cast %add3A_67 : i32 to index
          %get3A_139 = arith.constant 16 : index
          %get3A_140 = tpu.vector_load %arg10[%get3A_138, %get3A_139] {strides = array<i32>} : memref<80x128xf32, #tpu.memory_space<vmem>>, vector<16xf32>,
          %sub3A_141 = arith.subf %get3A_137, %get3A_140 : vector<16xf32>
          %mul3A_142 = arith.constant 0.318309873 : f32
          %mul3A_143 = vector.broadcast %mul3A_142 : f32 to vector<16xf32>
          %mul3A_144 = arith.mulf %sub3A_141, %mul3A_143 : vector<16xf32>
          %add3A_145 = arith.constant 0x4B400000 : f32
          %add3A_146 = vector.broadcast %add3A_145 : f32 to vector<16xf32>
          %add3A_147 = arith.addf %mul3A_144, %add3A_146 : vector<16xf32>
          %sub3A_148 = arith.constant 0x4B400000 : f32
          %sub3A_149 = vector.broadcast %sub3A_148 : f32 to vector<16xf32>
          %sub3A_150 = arith.subf %add3A_147, %sub3A_149 : vector<16xf32>
          %bitcast_convert_type3A_151 = tpu.bitcast %add3A_147 : vector<16xf32> -> vector<16xi32>
          %mul3A_152 = arith.constant 3.14159274 : f32
          %mul3A_153 = vector.broadcast %mul3A_152 : f32 to vector<16xf32>
          %mul3A_154 = arith.mulf %sub3A_150, %mul3A_153 : vector<16xf32>
          %sub3A_155 = arith.subf %sub3A_141, %mul3A_154 : vector<16xf32>
          %mul3A_156 = arith.constant -8.74227765E-8 : f32
          %mul3A_157 = vector.broadcast %mul3A_156 : f32 to vector<16xf32>
          %mul3A_158 = arith.mulf %sub3A_150, %mul3A_157 : vector<16xf32>
          %sub3A_159 = arith.subf %sub3A_155, %mul3A_158 : vector<16xf32>
          %mul3A_160 = arith.mulf %sub3A_159, %sub3A_159 : vector<16xf32>
          %mul3A_161 = arith.constant 2.60005299E-6 : f32
          %mul3A_162 = vector.broadcast %mul3A_161 : f32 to vector<16xf32>
          %mul3A_163 = arith.mulf %mul3A_162, %mul3A_160 : vector<16xf32>
          %add3A_164 = arith.constant -1.98066118E-4 : f32
          %add3A_165 = vector.broadcast %add3A_164 : f32 to vector<16xf32>
          %add3A_166 = arith.addf %mul3A_163, %add3A_165 : vector<16xf32>
          %mul3A_167 = arith.mulf %add3A_166, %mul3A_160 : vector<16xf32>
          %add3A_168 = arith.constant 0.00833301712 : f32
          %add3A_169 = vector.broadcast %add3A_168 : f32 to vector<16xf32>
          %add3A_170 = arith.addf %mul3A_167, %add3A_169 : vector<16xf32>
          %mul3A_171 = arith.mulf %add3A_170, %mul3A_160 : vector<16xf32>
          %add3A_172 = arith.constant -0.166666567 : f32
          %add3A_173 = vector.broadcast %add3A_172 : f32 to vector<16xf32>
          %add3A_174 = arith.addf %mul3A_171, %add3A_173 : vector<16xf32>
          %mul3A_175 = arith.mulf %add3A_174, %mul3A_160 : vector<16xf32>
          %mul3A_176 = arith.mulf %sub3A_159, %mul3A_175 : vector<16xf32>
          %add3A_177 = arith.addf %sub3A_159, %mul3A_176 : vector<16xf32>
          %and3A_178 = arith.constant 1 : i32
          %and3A_179 = vector.broadcast %and3A_178 : i32 to vector<16xi32>
          %and3A_180 = arith.andi %bitcast_convert_type3A_151, %and3A_179 : vector<16xi32>
          %shift_left3A_181 = arith.constant 31 : i32
          %shift_left3A_182 = vector.broadcast %shift_left3A_181 : i32 to vector<16xi32>
          %shift_left3A_183 = arith.shli %and3A_180, %shift_left3A_182 : vector<16xi32>
          %bitcast_convert_type3A_184 = tpu.bitcast %add3A_177 : vector<16xf32> -> vector<16xi32>
          %xor3A_185 = arith.xori %bitcast_convert_type3A_184, %shift_left3A_183 : vector<16xi32>
          %bitcast_convert_type3A_186 = tpu.bitcast %xor3A_185 : vector<16xi32> -> vector<16xf32>
          %bitcast_convert_type3A_187 = tpu.bitcast %bitcast_convert_type3A_186 : vector<16xf32> -> vector<16xi32>
          %add3A_188 = arith.constant 32767 : i32
          %add3A_189 = vector.broadcast %add3A_188 : i32 to vector<16xi32>
          %add3A_190 = arith.addi %bitcast_convert_type3A_187, %add3A_189 : vector<16xi32>
          %shift_right_arithmetic3A_191 = arith.constant 16 : i32
          %shift_right_arithmetic3A_192 = vector.broadcast %shift_right_arithmetic3A_191 : i32 to vector<16xi32>
          %shift_right_arithmetic3A_193 = arith.shrsi %bitcast_convert_type3A_187, %shift_right_arithmetic3A_192 : vector<16xi32>
          %and3A_194 = arith.constant 1 : i32
          %and3A_195 = vector.broadcast %and3A_194 : i32 to vector<16xi32>
          %and3A_196 = arith.andi %shift_right_arithmetic3A_193, %and3A_195 : vector<16xi32>
          %add3A_197 = arith.addi %add3A_190, %and3A_196 : vector<16xi32>
          %and3A_198 = arith.constant -65536 : i32
          %and3A_199 = vector.broadcast %and3A_198 : i32 to vector<16xi32>
          %and3A_200 = arith.andi %add3A_197, %and3A_199 : vector<16xi32>
          %bitcast_convert_type3A_201 = tpu.bitcast %and3A_200 : vector<16xi32> -> vector<16xf32>
          %mul3A_202 = arith.mulf %bitcast_convert_type3A_201, %get3A_7 : vector<16xf32>
          %add3A_203 = arith.addf %add3A_134, %mul3A_202 : vector<16xf32>
          %get3A_204 = arith.index_cast %add3A_67 : i32 to index
          %get3A_205 = arith.constant 32 : index
          %get3A_206 = tpu.vector_load %arg9[%get3A_204, %get3A_205] {strides = array<i32>} : memref<80x128xf32, #tpu.memory_space<vmem>>, vector<16xf32>,
          %get3A_207 = arith.index_cast %add3A_67 : i32 to index
          %get3A_208 = arith.constant 32 : index
          %get3A_209 = tpu.vector_load %arg10[%get3A_207, %get3A_208] {strides = array<i32>} : memref<80x128xf32, #tpu.memory_space<vmem>>, vector<16xf32>,
          %sub3A_210 = arith.subf %get3A_206, %get3A_209 : vector<16xf32>
          %mul3A_211 = arith.constant 0.318309873 : f32
          %mul3A_212 = vector.broadcast %mul3A_211 : f32 to vector<16xf32>
          %mul3A_213 = arith.mulf %sub3A_210, %mul3A_212 : vector<16xf32>
          %add3A_214 = arith.constant 0x4B400000 : f32
          %add3A_215 = vector.broadcast %add3A_214 : f32 to vector<16xf32>
          %add3A_216 = arith.addf %mul3A_213, %add3A_215 : vector<16xf32>
          %sub3A_217 = arith.constant 0x4B400000 : f32
          %sub3A_218 = vector.broadcast %sub3A_217 : f32 to vector<16xf32>
          %sub3A_219 = arith.subf %add3A_216, %sub3A_218 : vector<16xf32>
          %bitcast_convert_type3A_220 = tpu.bitcast %add3A_216 : vector<16xf32> -> vector<16xi32>
          %mul3A_221 = arith.constant 3.14159274 : f32
          %mul3A_222 = vector.broadcast %mul3A_221 : f32 to vector<16xf32>
          %mul3A_223 = arith.mulf %sub3A_219, %mul3A_222 : vector<16xf32>
          %sub3A_224 = arith.subf %sub3A_210, %mul3A_223 : vector<16xf32>
          %mul3A_225 = arith.constant -8.74227765E-8 : f32
          %mul3A_226 = vector.broadcast %mul3A_225 : f32 to vector<16xf32>
          %mul3A_227 = arith.mulf %sub3A_219, %mul3A_226 : vector<16xf32>
          %sub3A_228 = arith.subf %sub3A_224, %mul3A_227 : vector<16xf32>
          %mul3A_229 = arith.mulf %sub3A_228, %sub3A_228 : vector<16xf32>
          %mul3A_230 = arith.constant 2.60005299E-6 : f32
          %mul3A_231 = vector.broadcast %mul3A_230 : f32 to vector<16xf32>
          %mul3A_232 = arith.mulf %mul3A_231, %mul3A_229 : vector<16xf32>
          %add3A_233 = arith.constant -1.98066118E-4 : f32
          %add3A_234 = vector.broadcast %add3A_233 : f32 to vector<16xf32>
          %add3A_235 = arith.addf %mul3A_232, %add3A_234 : vector<16xf32>
          %mul3A_236 = arith.mulf %add3A_235, %mul3A_229 : vector<16xf32>
          %add3A_237 = arith.constant 0.00833301712 : f32
          %add3A_238 = vector.broadcast %add3A_237 : f32 to vector<16xf32>
          %add3A_239 = arith.addf %mul3A_236, %add3A_238 : vector<16xf32>
          %mul3A_240 = arith.mulf %add3A_239, %mul3A_229 : vector<16xf32>
          %add3A_241 = arith.constant -0.166666567 : f32
          %add3A_242 = vector.broadcast %add3A_241 : f32 to vector<16xf32>
          %add3A_243 = arith.addf %mul3A_240, %add3A_242 : vector<16xf32>
          %mul3A_244 = arith.mulf %add3A_243, %mul3A_229 : vector<16xf32>
          %mul3A_245 = arith.mulf %sub3A_228, %mul3A_244 : vector<16xf32>
          %add3A_246 = arith.addf %sub3A_228, %mul3A_245 : vector<16xf32>
          %and3A_247 = arith.constant 1 : i32
          %and3A_248 = vector.broadcast %and3A_247 : i32 to vector<16xi32>
          %and3A_249 = arith.andi %bitcast_convert_type3A_220, %and3A_248 : vector<16xi32>
          %shift_left3A_250 = arith.constant 31 : i32
          %shift_left3A_251 = vector.broadcast %shift_left3A_250 : i32 to vector<16xi32>
          %shift_left3A_252 = arith.shli %and3A_249, %shift_left3A_251 : vector<16xi32>
          %bitcast_convert_type3A_253 = tpu.bitcast %add3A_246 : vector<16xf32> -> vector<16xi32>
          %xor3A_254 = arith.xori %bitcast_convert_type3A_253, %shift_left3A_252 : vector<16xi32>
          %bitcast_convert_type3A_255 = tpu.bitcast %xor3A_254 : vector<16xi32> -> vector<16xf32>
          %bitcast_convert_type3A_256 = tpu.bitcast %bitcast_convert_type3A_255 : vector<16xf32> -> vector<16xi32>
          %add3A_257 = arith.constant 32767 : i32
          %add3A_258 = vector.broadcast %add3A_257 : i32 to vector<16xi32>
          %add3A_259 = arith.addi %bitcast_convert_type3A_256, %add3A_258 : vector<16xi32>
          %shift_right_arithmetic3A_260 = arith.constant 16 : i32
          %shift_right_arithmetic3A_261 = vector.broadcast %shift_right_arithmetic3A_260 : i32 to vector<16xi32>
          %shift_right_arithmetic3A_262 = arith.shrsi %bitcast_convert_type3A_256, %shift_right_arithmetic3A_261 : vector<16xi32>
          %and3A_263 = arith.constant 1 : i32
          %and3A_264 = vector.broadcast %and3A_263 : i32 to vector<16xi32>
          %and3A_265 = arith.andi %shift_right_arithmetic3A_262, %and3A_264 : vector<16xi32>
          %add3A_266 = arith.addi %add3A_259, %and3A_265 : vector<16xi32>
          %and3A_267 = arith.constant -65536 : i32
          %and3A_268 = vector.broadcast %and3A_267 : i32 to vector<16xi32>
          %and3A_269 = arith.andi %add3A_266, %and3A_268 : vector<16xi32>
          %bitcast_convert_type3A_270 = tpu.bitcast %and3A_269 : vector<16xi32> -> vector<16xf32>
          %mul3A_271 = arith.mulf %bitcast_convert_type3A_270, %get3A_9 : vector<16xf32>
          %add3A_272 = arith.addf %add3A_203, %mul3A_271 : vector<16xf32>
          %get3A_273 = arith.index_cast %add3A_67 : i32 to index
          %get3A_274 = arith.constant 48 : index
          %get3A_275 = tpu.vector_load %arg9[%get3A_273, %get3A_274] {strides = array<i32>} : memref<80x128xf32, #tpu.memory_space<vmem>>, vector<16xf32>,
          %get3A_276 = arith.index_cast %add3A_67 : i32 to index
          %get3A_277 = arith.constant 48 : index
          %get3A_278 = tpu.vector_load %arg10[%get3A_276, %get3A_277] {strides = array<i32>} : memref<80x128xf32, #tpu.memory_space<vmem>>, vector<16xf32>,
          %sub3A_279 = arith.subf %get3A_275, %get3A_278 : vector<16xf32>
          %mul3A_280 = arith.constant 0.318309873 : f32
          %mul3A_281 = vector.broadcast %mul3A_280 : f32 to vector<16xf32>
          %mul3A_282 = arith.mulf %sub3A_279, %mul3A_281 : vector<16xf32>
          %add3A_283 = arith.constant 0x4B400000 : f32
          %add3A_284 = vector.broadcast %add3A_283 : f32 to vector<16xf32>
          %add3A_285 = arith.addf %mul3A_282, %add3A_284 : vector<16xf32>
          %sub3A_286 = arith.constant 0x4B400000 : f32
          %sub3A_287 = vector.broadcast %sub3A_286 : f32 to vector<16xf32>
          %sub3A_288 = arith.subf %add3A_285, %sub3A_287 : vector<16xf32>
          %bitcast_convert_type3A_289 = tpu.bitcast %add3A_285 : vector<16xf32> -> vector<16xi32>
          %mul3A_290 = arith.constant 3.14159274 : f32
          %mul3A_291 = vector.broadcast %mul3A_290 : f32 to vector<16xf32>
          %mul3A_292 = arith.mulf %sub3A_288, %mul3A_291 : vector<16xf32>
          %sub3A_293 = arith.subf %sub3A_279, %mul3A_292 : vector<16xf32>
          %mul3A_294 = arith.constant -8.74227765E-8 : f32
          %mul3A_295 = vector.broadcast %mul3A_294 : f32 to vector<16xf32>
          %mul3A_296 = arith.mulf %sub3A_288, %mul3A_295 : vector<16xf32>
          %sub3A_297 = arith.subf %sub3A_293, %mul3A_296 : vector<16xf32>
          %mul3A_298 = arith.mulf %sub3A_297, %sub3A_297 : vector<16xf32>
          %mul3A_299 = arith.constant 2.60005299E-6 : f32
          %mul3A_300 = vector.broadcast %mul3A_299 : f32 to vector<16xf32>
          %mul3A_301 = arith.mulf %mul3A_300, %mul3A_298 : vector<16xf32>
          %add3A_302 = arith.constant -1.98066118E-4 : f32
          %add3A_303 = vector.broadcast %add3A_302 : f32 to vector<16xf32>
          %add3A_304 = arith.addf %mul3A_301, %add3A_303 : vector<16xf32>
          %mul3A_305 = arith.mulf %add3A_304, %mul3A_298 : vector<16xf32>
          %add3A_306 = arith.constant 0.00833301712 : f32
          %add3A_307 = vector.broadcast %add3A_306 : f32 to vector<16xf32>
          %add3A_308 = arith.addf %mul3A_305, %add3A_307 : vector<16xf32>
          %mul3A_309 = arith.mulf %add3A_308, %mul3A_298 : vector<16xf32>
          %add3A_310 = arith.constant -0.166666567 : f32
          %add3A_311 = vector.broadcast %add3A_310 : f32 to vector<16xf32>
          %add3A_312 = arith.addf %mul3A_309, %add3A_311 : vector<16xf32>
          %mul3A_313 = arith.mulf %add3A_312, %mul3A_298 : vector<16xf32>
          %mul3A_314 = arith.mulf %sub3A_297, %mul3A_313 : vector<16xf32>
          %add3A_315 = arith.addf %sub3A_297, %mul3A_314 : vector<16xf32>
          %and3A_316 = arith.constant 1 : i32
          %and3A_317 = vector.broadcast %and3A_316 : i32 to vector<16xi32>
          %and3A_318 = arith.andi %bitcast_convert_type3A_289, %and3A_317 : vector<16xi32>
          %shift_left3A_319 = arith.constant 31 : i32
          %shift_left3A_320 = vector.broadcast %shift_left3A_319 : i32 to vector<16xi32>
          %shift_left3A_321 = arith.shli %and3A_318, %shift_left3A_320 : vector<16xi32>
          %bitcast_convert_type3A_322 = tpu.bitcast %add3A_315 : vector<16xf32> -> vector<16xi32>
          %xor3A_323 = arith.xori %bitcast_convert_type3A_322, %shift_left3A_321 : vector<16xi32>
          %bitcast_convert_type3A_324 = tpu.bitcast %xor3A_323 : vector<16xi32> -> vector<16xf32>
          %bitcast_convert_type3A_325 = tpu.bitcast %bitcast_convert_type3A_324 : vector<16xf32> -> vector<16xi32>
          %add3A_326 = arith.constant 32767 : i32
          %add3A_327 = vector.broadcast %add3A_326 : i32 to vector<16xi32>
          %add3A_328 = arith.addi %bitcast_convert_type3A_325, %add3A_327 : vector<16xi32>
          %shift_right_arithmetic3A_329 = arith.constant 16 : i32
          %shift_right_arithmetic3A_330 = vector.broadcast %shift_right_arithmetic3A_329 : i32 to vector<16xi32>
          %shift_right_arithmetic3A_331 = arith.shrsi %bitcast_convert_type3A_325, %shift_right_arithmetic3A_330 : vector<16xi32>
          %and3A_332 = arith.constant 1 : i32
          %and3A_333 = vector.broadcast %and3A_332 : i32 to vector<16xi32>
          %and3A_334 = arith.andi %shift_right_arithmetic3A_331, %and3A_333 : vector<16xi32>
          %add3A_335 = arith.addi %add3A_328, %and3A_334 : vector<16xi32>
          %and3A_336 = arith.constant -65536 : i32
          %and3A_337 = vector.broadcast %and3A_336 : i32 to vector<16xi32>
          %and3A_338 = arith.andi %add3A_335, %and3A_337 : vector<16xi32>
          %bitcast_convert_type3A_339 = tpu.bitcast %and3A_338 : vector<16xi32> -> vector<16xf32>
          %mul3A_340 = arith.mulf %bitcast_convert_type3A_339, %get3A_11 : vector<16xf32>
          %add3A_341 = arith.addf %add3A_272, %mul3A_340 : vector<16xf32>
          %get3A_342 = arith.index_cast %add3A_67 : i32 to index
          %get3A_343 = arith.constant 64 : index
          %get3A_344 = tpu.vector_load %arg9[%get3A_342, %get3A_343] {strides = array<i32>} : memref<80x128xf32, #tpu.memory_space<vmem>>, vector<16xf32>,
          %get3A_345 = arith.index_cast %add3A_67 : i32 to index
          %get3A_346 = arith.constant 64 : index
          %get3A_347 = tpu.vector_load %arg10[%get3A_345, %get3A_346] {strides = array<i32>} : memref<80x128xf32, #tpu.memory_space<vmem>>, vector<16xf32>,
          %sub3A_348 = arith.subf %get3A_344, %get3A_347 : vector<16xf32>
          %mul3A_349 = arith.constant 0.318309873 : f32
          %mul3A_350 = vector.broadcast %mul3A_349 : f32 to vector<16xf32>
          %mul3A_351 = arith.mulf %sub3A_348, %mul3A_350 : vector<16xf32>
          %add3A_352 = arith.constant 0x4B400000 : f32
          %add3A_353 = vector.broadcast %add3A_352 : f32 to vector<16xf32>
          %add3A_354 = arith.addf %mul3A_351, %add3A_353 : vector<16xf32>
          %sub3A_355 = arith.constant 0x4B400000 : f32
          %sub3A_356 = vector.broadcast %sub3A_355 : f32 to vector<16xf32>
          %sub3A_357 = arith.subf %add3A_354, %sub3A_356 : vector<16xf32>
          %bitcast_convert_type3A_358 = tpu.bitcast %add3A_354 : vector<16xf32> -> vector<16xi32>
          %mul3A_359 = arith.constant 3.14159274 : f32
          %mul3A_360 = vector.broadcast %mul3A_359 : f32 to vector<16xf32>
          %mul3A_361 = arith.mulf %sub3A_357, %mul3A_360 : vector<16xf32>
          %sub3A_362 = arith.subf %sub3A_348, %mul3A_361 : vector<16xf32>
          %mul3A_363 = arith.constant -8.74227765E-8 : f32
          %mul3A_364 = vector.broadcast %mul3A_363 : f32 to vector<16xf32>
          %mul3A_365 = arith.mulf %sub3A_357, %mul3A_364 : vector<16xf32>
          %sub3A_366 = arith.subf %sub3A_362, %mul3A_365 : vector<16xf32>
          %mul3A_367 = arith.mulf %sub3A_366, %sub3A_366 : vector<16xf32>
          %mul3A_368 = arith.constant 2.60005299E-6 : f32
          %mul3A_369 = vector.broadcast %mul3A_368 : f32 to vector<16xf32>
          %mul3A_370 = arith.mulf %mul3A_369, %mul3A_367 : vector<16xf32>
          %add3A_371 = arith.constant -1.98066118E-4 : f32
          %add3A_372 = vector.broadcast %add3A_371 : f32 to vector<16xf32>
          %add3A_373 = arith.addf %mul3A_370, %add3A_372 : vector<16xf32>
          %mul3A_374 = arith.mulf %add3A_373, %mul3A_367 : vector<16xf32>
          %add3A_375 = arith.constant 0.00833301712 : f32
          %add3A_376 = vector.broadcast %add3A_375 : f32 to vector<16xf32>
          %add3A_377 = arith.addf %mul3A_374, %add3A_376 : vector<16xf32>
          %mul3A_378 = arith.mulf %add3A_377, %mul3A_367 : vector<16xf32>
          %add3A_379 = arith.constant -0.166666567 : f32
          %add3A_380 = vector.broadcast %add3A_379 : f32 to vector<16xf32>
          %add3A_381 = arith.addf %mul3A_378, %add3A_380 : vector<16xf32>
          %mul3A_382 = arith.mulf %add3A_381, %mul3A_367 : vector<16xf32>
          %mul3A_383 = arith.mulf %sub3A_366, %mul3A_382 : vector<16xf32>
          %add3A_384 = arith.addf %sub3A_366, %mul3A_383 : vector<16xf32>
          %and3A_385 = arith.constant 1 : i32
          %and3A_386 = vector.broadcast %and3A_385 : i32 to vector<16xi32>
          %and3A_387 = arith.andi %bitcast_convert_type3A_358, %and3A_386 : vector<16xi32>
          %shift_left3A_388 = arith.constant 31 : i32
          %shift_left3A_389 = vector.broadcast %shift_left3A_388 : i32 to vector<16xi32>
          %shift_left3A_390 = arith.shli %and3A_387, %shift_left3A_389 : vector<16xi32>
          %bitcast_convert_type3A_391 = tpu.bitcast %add3A_384 : vector<16xf32> -> vector<16xi32>
          %xor3A_392 = arith.xori %bitcast_convert_type3A_391, %shift_left3A_390 : vector<16xi32>
          %bitcast_convert_type3A_393 = tpu.bitcast %xor3A_392 : vector<16xi32> -> vector<16xf32>
          %bitcast_convert_type3A_394 = tpu.bitcast %bitcast_convert_type3A_393 : vector<16xf32> -> vector<16xi32>
          %add3A_395 = arith.constant 32767 : i32
          %add3A_396 = vector.broadcast %add3A_395 : i32 to vector<16xi32>
          %add3A_397 = arith.addi %bitcast_convert_type3A_394, %add3A_396 : vector<16xi32>
          %shift_right_arithmetic3A_398 = arith.constant 16 : i32
          %shift_right_arithmetic3A_399 = vector.broadcast %shift_right_arithmetic3A_398 : i32 to vector<16xi32>
          %shift_right_arithmetic3A_400 = arith.shrsi %bitcast_convert_type3A_394, %shift_right_arithmetic3A_399 : vector<16xi32>
          %and3A_401 = arith.constant 1 : i32
          %and3A_402 = vector.broadcast %and3A_401 : i32 to vector<16xi32>
          %and3A_403 = arith.andi %shift_right_arithmetic3A_400, %and3A_402 : vector<16xi32>
          %add3A_404 = arith.addi %add3A_397, %and3A_403 : vector<16xi32>
          %and3A_405 = arith.constant -65536 : i32
          %and3A_406 = vector.broadcast %and3A_405 : i32 to vector<16xi32>
          %and3A_407 = arith.andi %add3A_404, %and3A_406 : vector<16xi32>
          %bitcast_convert_type3A_408 = tpu.bitcast %and3A_407 : vector<16xi32> -> vector<16xf32>
          %mul3A_409 = arith.mulf %bitcast_convert_type3A_408, %get3A_13 : vector<16xf32>
          %add3A_410 = arith.addf %add3A_341, %mul3A_409 : vector<16xf32>
          %get3A_411 = arith.index_cast %add3A_67 : i32 to index
          %get3A_412 = arith.constant 80 : index
          %get3A_413 = tpu.vector_load %arg9[%get3A_411, %get3A_412] {strides = array<i32>} : memref<80x128xf32, #tpu.memory_space<vmem>>, vector<16xf32>,
          %get3A_414 = arith.index_cast %add3A_67 : i32 to index
          %get3A_415 = arith.constant 80 : index
          %get3A_416 = tpu.vector_load %arg10[%get3A_414, %get3A_415] {strides = array<i32>} : memref<80x128xf32, #tpu.memory_space<vmem>>, vector<16xf32>,
          %sub3A_417 = arith.subf %get3A_413, %get3A_416 : vector<16xf32>
          %mul3A_418 = arith.constant 0.318309873 : f32
          %mul3A_419 = vector.broadcast %mul3A_418 : f32 to vector<16xf32>
          %mul3A_420 = arith.mulf %sub3A_417, %mul3A_419 : vector<16xf32>
          %add3A_421 = arith.constant 0x4B400000 : f32
          %add3A_422 = vector.broadcast %add3A_421 : f32 to vector<16xf32>
          %add3A_423 = arith.addf %mul3A_420, %add3A_422 : vector<16xf32>
          %sub3A_424 = arith.constant 0x4B400000 : f32
          %sub3A_425 = vector.broadcast %sub3A_424 : f32 to vector<16xf32>
          %sub3A_426 = arith.subf %add3A_423, %sub3A_425 : vector<16xf32>
          %bitcast_convert_type3A_427 = tpu.bitcast %add3A_423 : vector<16xf32> -> vector<16xi32>
          %mul3A_428 = arith.constant 3.14159274 : f32
          %mul3A_429 = vector.broadcast %mul3A_428 : f32 to vector<16xf32>
          %mul3A_430 = arith.mulf %sub3A_426, %mul3A_429 : vector<16xf32>
          %sub3A_431 = arith.subf %sub3A_417, %mul3A_430 : vector<16xf32>
          %mul3A_432 = arith.constant -8.74227765E-8 : f32
          %mul3A_433 = vector.broadcast %mul3A_432 : f32 to vector<16xf32>
          %mul3A_434 = arith.mulf %sub3A_426, %mul3A_433 : vector<16xf32>
          %sub3A_435 = arith.subf %sub3A_431, %mul3A_434 : vector<16xf32>
          %mul3A_436 = arith.mulf %sub3A_435, %sub3A_435 : vector<16xf32>
          %mul3A_437 = arith.constant 2.60005299E-6 : f32
          %mul3A_438 = vector.broadcast %mul3A_437 : f32 to vector<16xf32>
          %mul3A_439 = arith.mulf %mul3A_438, %mul3A_436 : vector<16xf32>
          %add3A_440 = arith.constant -1.98066118E-4 : f32
          %add3A_441 = vector.broadcast %add3A_440 : f32 to vector<16xf32>
          %add3A_442 = arith.addf %mul3A_439, %add3A_441 : vector<16xf32>
          %mul3A_443 = arith.mulf %add3A_442, %mul3A_436 : vector<16xf32>
          %add3A_444 = arith.constant 0.00833301712 : f32
          %add3A_445 = vector.broadcast %add3A_444 : f32 to vector<16xf32>
          %add3A_446 = arith.addf %mul3A_443, %add3A_445 : vector<16xf32>
          %mul3A_447 = arith.mulf %add3A_446, %mul3A_436 : vector<16xf32>
          %add3A_448 = arith.constant -0.166666567 : f32
          %add3A_449 = vector.broadcast %add3A_448 : f32 to vector<16xf32>
          %add3A_450 = arith.addf %mul3A_447, %add3A_449 : vector<16xf32>
          %mul3A_451 = arith.mulf %add3A_450, %mul3A_436 : vector<16xf32>
          %mul3A_452 = arith.mulf %sub3A_435, %mul3A_451 : vector<16xf32>
          %add3A_453 = arith.addf %sub3A_435, %mul3A_452 : vector<16xf32>
          %and3A_454 = arith.constant 1 : i32
          %and3A_455 = vector.broadcast %and3A_454 : i32 to vector<16xi32>
          %and3A_456 = arith.andi %bitcast_convert_type3A_427, %and3A_455 : vector<16xi32>
          %shift_left3A_457 = arith.constant 31 : i32
          %shift_left3A_458 = vector.broadcast %shift_left3A_457 : i32 to vector<16xi32>
          %shift_left3A_459 = arith.shli %and3A_456, %shift_left3A_458 : vector<16xi32>
          %bitcast_convert_type3A_460 = tpu.bitcast %add3A_453 : vector<16xf32> -> vector<16xi32>
          %xor3A_461 = arith.xori %bitcast_convert_type3A_460, %shift_left3A_459 : vector<16xi32>
          %bitcast_convert_type3A_462 = tpu.bitcast %xor3A_461 : vector<16xi32> -> vector<16xf32>
          %bitcast_convert_type3A_463 = tpu.bitcast %bitcast_convert_type3A_462 : vector<16xf32> -> vector<16xi32>
          %add3A_464 = arith.constant 32767 : i32
          %add3A_465 = vector.broadcast %add3A_464 : i32 to vector<16xi32>
          %add3A_466 = arith.addi %bitcast_convert_type3A_463, %add3A_465 : vector<16xi32>
          %shift_right_arithmetic3A_467 = arith.constant 16 : i32
          %shift_right_arithmetic3A_468 = vector.broadcast %shift_right_arithmetic3A_467 : i32 to vector<16xi32>
          %shift_right_arithmetic3A_469 = arith.shrsi %bitcast_convert_type3A_463, %shift_right_arithmetic3A_468 : vector<16xi32>
          %and3A_470 = arith.constant 1 : i32
          %and3A_471 = vector.broadcast %and3A_470 : i32 to vector<16xi32>
          %and3A_472 = arith.andi %shift_right_arithmetic3A_469, %and3A_471 : vector<16xi32>
          %add3A_473 = arith.addi %add3A_466, %and3A_472 : vector<16xi32>
          %and3A_474 = arith.constant -65536 : i32
          %and3A_475 = vector.broadcast %and3A_474 : i32 to vector<16xi32>
          %and3A_476 = arith.andi %add3A_473, %and3A_475 : vector<16xi32>
          %bitcast_convert_type3A_477 = tpu.bitcast %and3A_476 : vector<16xi32> -> vector<16xf32>
          %mul3A_478 = arith.mulf %bitcast_convert_type3A_477, %get3A_15 : vector<16xf32>
          %add3A_479 = arith.addf %add3A_410, %mul3A_478 : vector<16xf32>
          %get3A_480 = arith.index_cast %add3A_67 : i32 to index
          %get3A_481 = arith.constant 96 : index
          %get3A_482 = tpu.vector_load %arg9[%get3A_480, %get3A_481] {strides = array<i32>} : memref<80x128xf32, #tpu.memory_space<vmem>>, vector<16xf32>,
          %get3A_483 = arith.index_cast %add3A_67 : i32 to index
          %get3A_484 = arith.constant 96 : index
          %get3A_485 = tpu.vector_load %arg10[%get3A_483, %get3A_484] {strides = array<i32>} : memref<80x128xf32, #tpu.memory_space<vmem>>, vector<16xf32>,
          %sub3A_486 = arith.subf %get3A_482, %get3A_485 : vector<16xf32>
          %mul3A_487 = arith.constant 0.318309873 : f32
          %mul3A_488 = vector.broadcast %mul3A_487 : f32 to vector<16xf32>
          %mul3A_489 = arith.mulf %sub3A_486, %mul3A_488 : vector<16xf32>
          %add3A_490 = arith.constant 0x4B400000 : f32
          %add3A_491 = vector.broadcast %add3A_490 : f32 to vector<16xf32>
          %add3A_492 = arith.addf %mul3A_489, %add3A_491 : vector<16xf32>
          %sub3A_493 = arith.constant 0x4B400000 : f32
          %sub3A_494 = vector.broadcast %sub3A_493 : f32 to vector<16xf32>
          %sub3A_495 = arith.subf %add3A_492, %sub3A_494 : vector<16xf32>
          %bitcast_convert_type3A_496 = tpu.bitcast %add3A_492 : vector<16xf32> -> vector<16xi32>
          %mul3A_497 = arith.constant 3.14159274 : f32
          %mul3A_498 = vector.broadcast %mul3A_497 : f32 to vector<16xf32>
          %mul3A_499 = arith.mulf %sub3A_495, %mul3A_498 : vector<16xf32>
          %sub3A_500 = arith.subf %sub3A_486, %mul3A_499 : vector<16xf32>
          %mul3A_501 = arith.constant -8.74227765E-8 : f32
          %mul3A_502 = vector.broadcast %mul3A_501 : f32 to vector<16xf32>
          %mul3A_503 = arith.mulf %sub3A_495, %mul3A_502 : vector<16xf32>
          %sub3A_504 = arith.subf %sub3A_500, %mul3A_503 : vector<16xf32>
          %mul3A_505 = arith.mulf %sub3A_504, %sub3A_504 : vector<16xf32>
          %mul3A_506 = arith.constant 2.60005299E-6 : f32
          %mul3A_507 = vector.broadcast %mul3A_506 : f32 to vector<16xf32>
          %mul3A_508 = arith.mulf %mul3A_507, %mul3A_505 : vector<16xf32>
          %add3A_509 = arith.constant -1.98066118E-4 : f32
          %add3A_510 = vector.broadcast %add3A_509 : f32 to vector<16xf32>
          %add3A_511 = arith.addf %mul3A_508, %add3A_510 : vector<16xf32>
          %mul3A_512 = arith.mulf %add3A_511, %mul3A_505 : vector<16xf32>
          %add3A_513 = arith.constant 0.00833301712 : f32
          %add3A_514 = vector.broadcast %add3A_513 : f32 to vector<16xf32>
          %add3A_515 = arith.addf %mul3A_512, %add3A_514 : vector<16xf32>
          %mul3A_516 = arith.mulf %add3A_515, %mul3A_505 : vector<16xf32>
          %add3A_517 = arith.constant -0.166666567 : f32
          %add3A_518 = vector.broadcast %add3A_517 : f32 to vector<16xf32>
          %add3A_519 = arith.addf %mul3A_516, %add3A_518 : vector<16xf32>
          %mul3A_520 = arith.mulf %add3A_519, %mul3A_505 : vector<16xf32>
          %mul3A_521 = arith.mulf %sub3A_504, %mul3A_520 : vector<16xf32>
          %add3A_522 = arith.addf %sub3A_504, %mul3A_521 : vector<16xf32>
          %and3A_523 = arith.constant 1 : i32
          %and3A_524 = vector.broadcast %and3A_523 : i32 to vector<16xi32>
          %and3A_525 = arith.andi %bitcast_convert_type3A_496, %and3A_524 : vector<16xi32>
          %shift_left3A_526 = arith.constant 31 : i32
          %shift_left3A_527 = vector.broadcast %shift_left3A_526 : i32 to vector<16xi32>
          %shift_left3A_528 = arith.shli %and3A_525, %shift_left3A_527 : vector<16xi32>
          %bitcast_convert_type3A_529 = tpu.bitcast %add3A_522 : vector<16xf32> -> vector<16xi32>
          %xor3A_530 = arith.xori %bitcast_convert_type3A_529, %shift_left3A_528 : vector<16xi32>
          %bitcast_convert_type3A_531 = tpu.bitcast %xor3A_530 : vector<16xi32> -> vector<16xf32>
          %bitcast_convert_type3A_532 = tpu.bitcast %bitcast_convert_type3A_531 : vector<16xf32> -> vector<16xi32>
          %add3A_533 = arith.constant 32767 : i32
          %add3A_534 = vector.broadcast %add3A_533 : i32 to vector<16xi32>
          %add3A_535 = arith.addi %bitcast_convert_type3A_532, %add3A_534 : vector<16xi32>
          %shift_right_arithmetic3A_536 = arith.constant 16 : i32
          %shift_right_arithmetic3A_537 = vector.broadcast %shift_right_arithmetic3A_536 : i32 to vector<16xi32>
          %shift_right_arithmetic3A_538 = arith.shrsi %bitcast_convert_type3A_532, %shift_right_arithmetic3A_537 : vector<16xi32>
          %and3A_539 = arith.constant 1 : i32
          %and3A_540 = vector.broadcast %and3A_539 : i32 to vector<16xi32>
          %and3A_541 = arith.andi %shift_right_arithmetic3A_538, %and3A_540 : vector<16xi32>
          %add3A_542 = arith.addi %add3A_535, %and3A_541 : vector<16xi32>
          %and3A_543 = arith.constant -65536 : i32
          %and3A_544 = vector.broadcast %and3A_543 : i32 to vector<16xi32>
          %and3A_545 = arith.andi %add3A_542, %and3A_544 : vector<16xi32>
          %bitcast_convert_type3A_546 = tpu.bitcast %and3A_545 : vector<16xi32> -> vector<16xf32>
          %mul3A_547 = arith.mulf %bitcast_convert_type3A_546, %get3A_17 : vector<16xf32>
          %add3A_548 = arith.addf %add3A_479, %mul3A_547 : vector<16xf32>
          %get3A_549 = arith.index_cast %add3A_67 : i32 to index
          %get3A_550 = arith.constant 112 : index
          %get3A_551 = tpu.vector_load %arg9[%get3A_549, %get3A_550] {strides = array<i32>} : memref<80x128xf32, #tpu.memory_space<vmem>>, vector<16xf32>,
          %get3A_552 = arith.index_cast %add3A_67 : i32 to index
          %get3A_553 = arith.constant 112 : index
          %get3A_554 = tpu.vector_load %arg10[%get3A_552, %get3A_553] {strides = array<i32>} : memref<80x128xf32, #tpu.memory_space<vmem>>, vector<16xf32>,
          %sub3A_555 = arith.subf %get3A_551, %get3A_554 : vector<16xf32>
          %mul3A_556 = arith.constant 0.318309873 : f32
          %mul3A_557 = vector.broadcast %mul3A_556 : f32 to vector<16xf32>
          %mul3A_558 = arith.mulf %sub3A_555, %mul3A_557 : vector<16xf32>
          %add3A_559 = arith.constant 0x4B400000 : f32
          %add3A_560 = vector.broadcast %add3A_559 : f32 to vector<16xf32>
          %add3A_561 = arith.addf %mul3A_558, %add3A_560 : vector<16xf32>
          %sub3A_562 = arith.constant 0x4B400000 : f32
          %sub3A_563 = vector.broadcast %sub3A_562 : f32 to vector<16xf32>
          %sub3A_564 = arith.subf %add3A_561, %sub3A_563 : vector<16xf32>
          %bitcast_convert_type3A_565 = tpu.bitcast %add3A_561 : vector<16xf32> -> vector<16xi32>
          %mul3A_566 = arith.constant 3.14159274 : f32
          %mul3A_567 = vector.broadcast %mul3A_566 : f32 to vector<16xf32>
          %mul3A_568 = arith.mulf %sub3A_564, %mul3A_567 : vector<16xf32>
          %sub3A_569 = arith.subf %sub3A_555, %mul3A_568 : vector<16xf32>
          %mul3A_570 = arith.constant -8.74227765E-8 : f32
          %mul3A_571 = vector.broadcast %mul3A_570 : f32 to vector<16xf32>
          %mul3A_572 = arith.mulf %sub3A_564, %mul3A_571 : vector<16xf32>
          %sub3A_573 = arith.subf %sub3A_569, %mul3A_572 : vector<16xf32>
          %mul3A_574 = arith.mulf %sub3A_573, %sub3A_573 : vector<16xf32>
          %mul3A_575 = arith.constant 2.60005299E-6 : f32
          %mul3A_576 = vector.broadcast %mul3A_575 : f32 to vector<16xf32>
          %mul3A_577 = arith.mulf %mul3A_576, %mul3A_574 : vector<16xf32>
          %add3A_578 = arith.constant -1.98066118E-4 : f32
          %add3A_579 = vector.broadcast %add3A_578 : f32 to vector<16xf32>
          %add3A_580 = arith.addf %mul3A_577, %add3A_579 : vector<16xf32>
          %mul3A_581 = arith.mulf %add3A_580, %mul3A_574 : vector<16xf32>
          %add3A_582 = arith.constant 0.00833301712 : f32
          %add3A_583 = vector.broadcast %add3A_582 : f32 to vector<16xf32>
          %add3A_584 = arith.addf %mul3A_581, %add3A_583 : vector<16xf32>
          %mul3A_585 = arith.mulf %add3A_584, %mul3A_574 : vector<16xf32>
          %add3A_586 = arith.constant -0.166666567 : f32
          %add3A_587 = vector.broadcast %add3A_586 : f32 to vector<16xf32>
          %add3A_588 = arith.addf %mul3A_585, %add3A_587 : vector<16xf32>
          %mul3A_589 = arith.mulf %add3A_588, %mul3A_574 : vector<16xf32>
          %mul3A_590 = arith.mulf %sub3A_573, %mul3A_589 : vector<16xf32>
          %add3A_591 = arith.addf %sub3A_573, %mul3A_590 : vector<16xf32>
          %and3A_592 = arith.constant 1 : i32
          %and3A_593 = vector.broadcast %and3A_592 : i32 to vector<16xi32>
          %and3A_594 = arith.andi %bitcast_convert_type3A_565, %and3A_593 : vector<16xi32>
          %shift_left3A_595 = arith.constant 31 : i32
          %shift_left3A_596 = vector.broadcast %shift_left3A_595 : i32 to vector<16xi32>
          %shift_left3A_597 = arith.shli %and3A_594, %shift_left3A_596 : vector<16xi32>
          %bitcast_convert_type3A_598 = tpu.bitcast %add3A_591 : vector<16xf32> -> vector<16xi32>
          %xor3A_599 = arith.xori %bitcast_convert_type3A_598, %shift_left3A_597 : vector<16xi32>
          %bitcast_convert_type3A_600 = tpu.bitcast %xor3A_599 : vector<16xi32> -> vector<16xf32>
          %bitcast_convert_type3A_601 = tpu.bitcast %bitcast_convert_type3A_600 : vector<16xf32> -> vector<16xi32>
          %add3A_602 = arith.constant 32767 : i32
          %add3A_603 = vector.broadcast %add3A_602 : i32 to vector<16xi32>
          %add3A_604 = arith.addi %bitcast_convert_type3A_601, %add3A_603 : vector<16xi32>
          %shift_right_arithmetic3A_605 = arith.constant 16 : i32
          %shift_right_arithmetic3A_606 = vector.broadcast %shift_right_arithmetic3A_605 : i32 to vector<16xi32>
          %shift_right_arithmetic3A_607 = arith.shrsi %bitcast_convert_type3A_601, %shift_right_arithmetic3A_606 : vector<16xi32>
          %and3A_608 = arith.constant 1 : i32
          %and3A_609 = vector.broadcast %and3A_608 : i32 to vector<16xi32>
          %and3A_610 = arith.andi %shift_right_arithmetic3A_607, %and3A_609 : vector<16xi32>
          %add3A_611 = arith.addi %add3A_604, %and3A_610 : vector<16xi32>
          %and3A_612 = arith.constant -65536 : i32
          %and3A_613 = vector.broadcast %and3A_612 : i32 to vector<16xi32>
          %and3A_614 = arith.andi %add3A_611, %and3A_613 : vector<16xi32>
          %bitcast_convert_type3A_615 = tpu.bitcast %and3A_614 : vector<16xi32> -> vector<16xf32>
          %mul3A_616 = arith.mulf %bitcast_convert_type3A_615, %get3A_19 : vector<16xf32>
          %add3A_617 = arith.addf %add3A_548, %mul3A_616 : vector<16xf32>
          %eq3A = vector.broadcast %scan3A_63 : i32 to vector<16xi32>
          %eq3A_618 = arith.cmpi eq, %iota3A, %eq3A : vector<16xi32>
          %reduce_sum3A = arith.constant true
          %reduce_sum3A_619 = vector.broadcast %reduce_sum3A : i1 to vector<16xi1>
          %reduce_sum3A_620 = tpu.scan <sum>, %add3A_617 masked %reduce_sum3A_619 : vector<16xf32>, vector<16xi1> -> vector<16xf32>
          %reduce_sum3A_621 = vector.extract %reduce_sum3A_620[15] : f32 from vector<16xf32>
          %broadcast_in_dim3A_622 = vector.broadcast %reduce_sum3A_621 : f32 to vector<16xf32>
          %select_n3A = arith.select %eq3A_618, %broadcast_in_dim3A_622, %scan3A_64 : vector<16xi1>, vector<16xf32>
          %scan3A_623 = arith.constant 1 : i32
          %scan3A_624 = arith.addi %scan3A_63, %scan3A_623 : i32
          %mul3A_625 = arith.constant 16 : i32
          %mul3A_626 = arith.muli %scan3A_45, %mul3A_625 : i32
          %add3A_627 = arith.addi %mul3A_626, %scan3A_624 : i32
          %broadcast_in_dim3A_628 = arith.constant 0.000000e+00 : f32
          %broadcast_in_dim3A_629 = vector.broadcast %broadcast_in_dim3A_628 : f32 to vector<16xf32>
          %get3A_630 = arith.index_cast %add3A_627 : i32 to index
          %get3A_631 = arith.constant 0 : index
          %get3A_632 = tpu.vector_load %arg9[%get3A_630, %get3A_631] {strides = array<i32>} : memref<80x128xf32, #tpu.memory_space<vmem>>, vector<16xf32>,
          %get3A_633 = arith.index_cast %add3A_627 : i32 to index
          %get3A_634 = arith.constant 0 : index
          %get3A_635 = tpu.vector_load %arg10[%get3A_633, %get3A_634] {strides = array<i32>} : memref<80x128xf32, #tpu.memory_space<vmem>>, vector<16xf32>,
          %sub3A_636 = arith.subf %get3A_632, %get3A_635 : vector<16xf32>
          %mul3A_637 = arith.constant 0.318309873 : f32
          %mul3A_638 = vector.broadcast %mul3A_637 : f32 to vector<16xf32>
          %mul3A_639 = arith.mulf %sub3A_636, %mul3A_638 : vector<16xf32>
          %add3A_640 = arith.constant 0x4B400000 : f32
          %add3A_641 = vector.broadcast %add3A_640 : f32 to vector<16xf32>
          %add3A_642 = arith.addf %mul3A_639, %add3A_641 : vector<16xf32>
          %sub3A_643 = arith.constant 0x4B400000 : f32
          %sub3A_644 = vector.broadcast %sub3A_643 : f32 to vector<16xf32>
          %sub3A_645 = arith.subf %add3A_642, %sub3A_644 : vector<16xf32>
          %bitcast_convert_type3A_646 = tpu.bitcast %add3A_642 : vector<16xf32> -> vector<16xi32>
          %mul3A_647 = arith.constant 3.14159274 : f32
          %mul3A_648 = vector.broadcast %mul3A_647 : f32 to vector<16xf32>
          %mul3A_649 = arith.mulf %sub3A_645, %mul3A_648 : vector<16xf32>
          %sub3A_650 = arith.subf %sub3A_636, %mul3A_649 : vector<16xf32>
          %mul3A_651 = arith.constant -8.74227765E-8 : f32
          %mul3A_652 = vector.broadcast %mul3A_651 : f32 to vector<16xf32>
          %mul3A_653 = arith.mulf %sub3A_645, %mul3A_652 : vector<16xf32>
          %sub3A_654 = arith.subf %sub3A_650, %mul3A_653 : vector<16xf32>
          %mul3A_655 = arith.mulf %sub3A_654, %sub3A_654 : vector<16xf32>
          %mul3A_656 = arith.constant 2.60005299E-6 : f32
          %mul3A_657 = vector.broadcast %mul3A_656 : f32 to vector<16xf32>
          %mul3A_658 = arith.mulf %mul3A_657, %mul3A_655 : vector<16xf32>
          %add3A_659 = arith.constant -1.98066118E-4 : f32
          %add3A_660 = vector.broadcast %add3A_659 : f32 to vector<16xf32>
          %add3A_661 = arith.addf %mul3A_658, %add3A_660 : vector<16xf32>
          %mul3A_662 = arith.mulf %add3A_661, %mul3A_655 : vector<16xf32>
          %add3A_663 = arith.constant 0.00833301712 : f32
          %add3A_664 = vector.broadcast %add3A_663 : f32 to vector<16xf32>
          %add3A_665 = arith.addf %mul3A_662, %add3A_664 : vector<16xf32>
          %mul3A_666 = arith.mulf %add3A_665, %mul3A_655 : vector<16xf32>
          %add3A_667 = arith.constant -0.166666567 : f32
          %add3A_668 = vector.broadcast %add3A_667 : f32 to vector<16xf32>
          %add3A_669 = arith.addf %mul3A_666, %add3A_668 : vector<16xf32>
          %mul3A_670 = arith.mulf %add3A_669, %mul3A_655 : vector<16xf32>
          %mul3A_671 = arith.mulf %sub3A_654, %mul3A_670 : vector<16xf32>
          %add3A_672 = arith.addf %sub3A_654, %mul3A_671 : vector<16xf32>
          %and3A_673 = arith.constant 1 : i32
          %and3A_674 = vector.broadcast %and3A_673 : i32 to vector<16xi32>
          %and3A_675 = arith.andi %bitcast_convert_type3A_646, %and3A_674 : vector<16xi32>
          %shift_left3A_676 = arith.constant 31 : i32
          %shift_left3A_677 = vector.broadcast %shift_left3A_676 : i32 to vector<16xi32>
          %shift_left3A_678 = arith.shli %and3A_675, %shift_left3A_677 : vector<16xi32>
          %bitcast_convert_type3A_679 = tpu.bitcast %add3A_672 : vector<16xf32> -> vector<16xi32>
          %xor3A_680 = arith.xori %bitcast_convert_type3A_679, %shift_left3A_678 : vector<16xi32>
          %bitcast_convert_type3A_681 = tpu.bitcast %xor3A_680 : vector<16xi32> -> vector<16xf32>
          %bitcast_convert_type3A_682 = tpu.bitcast %bitcast_convert_type3A_681 : vector<16xf32> -> vector<16xi32>
          %add3A_683 = arith.constant 32767 : i32
          %add3A_684 = vector.broadcast %add3A_683 : i32 to vector<16xi32>
          %add3A_685 = arith.addi %bitcast_convert_type3A_682, %add3A_684 : vector<16xi32>
          %shift_right_arithmetic3A_686 = arith.constant 16 : i32
          %shift_right_arithmetic3A_687 = vector.broadcast %shift_right_arithmetic3A_686 : i32 to vector<16xi32>
          %shift_right_arithmetic3A_688 = arith.shrsi %bitcast_convert_type3A_682, %shift_right_arithmetic3A_687 : vector<16xi32>
          %and3A_689 = arith.constant 1 : i32
          %and3A_690 = vector.broadcast %and3A_689 : i32 to vector<16xi32>
          %and3A_691 = arith.andi %shift_right_arithmetic3A_688, %and3A_690 : vector<16xi32>
          %add3A_692 = arith.addi %add3A_685, %and3A_691 : vector<16xi32>
          %and3A_693 = arith.constant -65536 : i32
          %and3A_694 = vector.broadcast %and3A_693 : i32 to vector<16xi32>
          %and3A_695 = arith.andi %add3A_692, %and3A_694 : vector<16xi32>
          %bitcast_convert_type3A_696 = tpu.bitcast %and3A_695 : vector<16xi32> -> vector<16xf32>
          %mul3A_697 = arith.mulf %bitcast_convert_type3A_696, %get3A_5 : vector<16xf32>
          %add3A_698 = arith.addf %broadcast_in_dim3A_629, %mul3A_697 : vector<16xf32>
          %get3A_699 = arith.index_cast %add3A_627 : i32 to index
          %get3A_700 = arith.constant 16 : index
          %get3A_701 = tpu.vector_load %arg9[%get3A_699, %get3A_700] {strides = array<i32>} : memref<80x128xf32, #tpu.memory_space<vmem>>, vector<16xf32>,
          %get3A_702 = arith.index_cast %add3A_627 : i32 to index
          %get3A_703 = arith.constant 16 : index
          %get3A_704 = tpu.vector_load %arg10[%get3A_702, %get3A_703] {strides = array<i32>} : memref<80x128xf32, #tpu.memory_space<vmem>>, vector<16xf32>,
          %sub3A_705 = arith.subf %get3A_701, %get3A_704 : vector<16xf32>
          %mul3A_706 = arith.constant 0.318309873 : f32
          %mul3A_707 = vector.broadcast %mul3A_706 : f32 to vector<16xf32>
          %mul3A_708 = arith.mulf %sub3A_705, %mul3A_707 : vector<16xf32>
          %add3A_709 = arith.constant 0x4B400000 : f32
          %add3A_710 = vector.broadcast %add3A_709 : f32 to vector<16xf32>
          %add3A_711 = arith.addf %mul3A_708, %add3A_710 : vector<16xf32>
          %sub3A_712 = arith.constant 0x4B400000 : f32
          %sub3A_713 = vector.broadcast %sub3A_712 : f32 to vector<16xf32>
          %sub3A_714 = arith.subf %add3A_711, %sub3A_713 : vector<16xf32>
          %bitcast_convert_type3A_715 = tpu.bitcast %add3A_711 : vector<16xf32> -> vector<16xi32>
          %mul3A_716 = arith.constant 3.14159274 : f32
          %mul3A_717 = vector.broadcast %mul3A_716 : f32 to vector<16xf32>
          %mul3A_718 = arith.mulf %sub3A_714, %mul3A_717 : vector<16xf32>
          %sub3A_719 = arith.subf %sub3A_705, %mul3A_718 : vector<16xf32>
          %mul3A_720 = arith.constant -8.74227765E-8 : f32
          %mul3A_721 = vector.broadcast %mul3A_720 : f32 to vector<16xf32>
          %mul3A_722 = arith.mulf %sub3A_714, %mul3A_721 : vector<16xf32>
          %sub3A_723 = arith.subf %sub3A_719, %mul3A_722 : vector<16xf32>
          %mul3A_724 = arith.mulf %sub3A_723, %sub3A_723 : vector<16xf32>
          %mul3A_725 = arith.constant 2.60005299E-6 : f32
          %mul3A_726 = vector.broadcast %mul3A_725 : f32 to vector<16xf32>
          %mul3A_727 = arith.mulf %mul3A_726, %mul3A_724 : vector<16xf32>
          %add3A_728 = arith.constant -1.98066118E-4 : f32
          %add3A_729 = vector.broadcast %add3A_728 : f32 to vector<16xf32>
          %add3A_730 = arith.addf %mul3A_727, %add3A_729 : vector<16xf32>
          %mul3A_731 = arith.mulf %add3A_730, %mul3A_724 : vector<16xf32>
          %add3A_732 = arith.constant 0.00833301712 : f32
          %add3A_733 = vector.broadcast %add3A_732 : f32 to vector<16xf32>
          %add3A_734 = arith.addf %mul3A_731, %add3A_733 : vector<16xf32>
          %mul3A_735 = arith.mulf %add3A_734, %mul3A_724 : vector<16xf32>
          %add3A_736 = arith.constant -0.166666567 : f32
          %add3A_737 = vector.broadcast %add3A_736 : f32 to vector<16xf32>
          %add3A_738 = arith.addf %mul3A_735, %add3A_737 : vector<16xf32>
          %mul3A_739 = arith.mulf %add3A_738, %mul3A_724 : vector<16xf32>
          %mul3A_740 = arith.mulf %sub3A_723, %mul3A_739 : vector<16xf32>
          %add3A_741 = arith.addf %sub3A_723, %mul3A_740 : vector<16xf32>
          %and3A_742 = arith.constant 1 : i32
          %and3A_743 = vector.broadcast %and3A_742 : i32 to vector<16xi32>
          %and3A_744 = arith.andi %bitcast_convert_type3A_715, %and3A_743 : vector<16xi32>
          %shift_left3A_745 = arith.constant 31 : i32
          %shift_left3A_746 = vector.broadcast %shift_left3A_745 : i32 to vector<16xi32>
          %shift_left3A_747 = arith.shli %and3A_744, %shift_left3A_746 : vector<16xi32>
          %bitcast_convert_type3A_748 = tpu.bitcast %add3A_741 : vector<16xf32> -> vector<16xi32>
          %xor3A_749 = arith.xori %bitcast_convert_type3A_748, %shift_left3A_747 : vector<16xi32>
          %bitcast_convert_type3A_750 = tpu.bitcast %xor3A_749 : vector<16xi32> -> vector<16xf32>
          %bitcast_convert_type3A_751 = tpu.bitcast %bitcast_convert_type3A_750 : vector<16xf32> -> vector<16xi32>
          %add3A_752 = arith.constant 32767 : i32
          %add3A_753 = vector.broadcast %add3A_752 : i32 to vector<16xi32>
          %add3A_754 = arith.addi %bitcast_convert_type3A_751, %add3A_753 : vector<16xi32>
          %shift_right_arithmetic3A_755 = arith.constant 16 : i32
          %shift_right_arithmetic3A_756 = vector.broadcast %shift_right_arithmetic3A_755 : i32 to vector<16xi32>
          %shift_right_arithmetic3A_757 = arith.shrsi %bitcast_convert_type3A_751, %shift_right_arithmetic3A_756 : vector<16xi32>
          %and3A_758 = arith.constant 1 : i32
          %and3A_759 = vector.broadcast %and3A_758 : i32 to vector<16xi32>
          %and3A_760 = arith.andi %shift_right_arithmetic3A_757, %and3A_759 : vector<16xi32>
          %add3A_761 = arith.addi %add3A_754, %and3A_760 : vector<16xi32>
          %and3A_762 = arith.constant -65536 : i32
          %and3A_763 = vector.broadcast %and3A_762 : i32 to vector<16xi32>
          %and3A_764 = arith.andi %add3A_761, %and3A_763 : vector<16xi32>
          %bitcast_convert_type3A_765 = tpu.bitcast %and3A_764 : vector<16xi32> -> vector<16xf32>
          %mul3A_766 = arith.mulf %bitcast_convert_type3A_765, %get3A_7 : vector<16xf32>
          %add3A_767 = arith.addf %add3A_698, %mul3A_766 : vector<16xf32>
          %get3A_768 = arith.index_cast %add3A_627 : i32 to index
          %get3A_769 = arith.constant 32 : index
          %get3A_770 = tpu.vector_load %arg9[%get3A_768, %get3A_769] {strides = array<i32>} : memref<80x128xf32, #tpu.memory_space<vmem>>, vector<16xf32>,
          %get3A_771 = arith.index_cast %add3A_627 : i32 to index
          %get3A_772 = arith.constant 32 : index
          %get3A_773 = tpu.vector_load %arg10[%get3A_771, %get3A_772] {strides = array<i32>} : memref<80x128xf32, #tpu.memory_space<vmem>>, vector<16xf32>,
          %sub3A_774 = arith.subf %get3A_770, %get3A_773 : vector<16xf32>
          %mul3A_775 = arith.constant 0.318309873 : f32
          %mul3A_776 = vector.broadcast %mul3A_775 : f32 to vector<16xf32>
          %mul3A_777 = arith.mulf %sub3A_774, %mul3A_776 : vector<16xf32>
          %add3A_778 = arith.constant 0x4B400000 : f32
          %add3A_779 = vector.broadcast %add3A_778 : f32 to vector<16xf32>
          %add3A_780 = arith.addf %mul3A_777, %add3A_779 : vector<16xf32>
          %sub3A_781 = arith.constant 0x4B400000 : f32
          %sub3A_782 = vector.broadcast %sub3A_781 : f32 to vector<16xf32>
          %sub3A_783 = arith.subf %add3A_780, %sub3A_782 : vector<16xf32>
          %bitcast_convert_type3A_784 = tpu.bitcast %add3A_780 : vector<16xf32> -> vector<16xi32>
          %mul3A_785 = arith.constant 3.14159274 : f32
          %mul3A_786 = vector.broadcast %mul3A_785 : f32 to vector<16xf32>
          %mul3A_787 = arith.mulf %sub3A_783, %mul3A_786 : vector<16xf32>
          %sub3A_788 = arith.subf %sub3A_774, %mul3A_787 : vector<16xf32>
          %mul3A_789 = arith.constant -8.74227765E-8 : f32
          %mul3A_790 = vector.broadcast %mul3A_789 : f32 to vector<16xf32>
          %mul3A_791 = arith.mulf %sub3A_783, %mul3A_790 : vector<16xf32>
          %sub3A_792 = arith.subf %sub3A_788, %mul3A_791 : vector<16xf32>
          %mul3A_793 = arith.mulf %sub3A_792, %sub3A_792 : vector<16xf32>
          %mul3A_794 = arith.constant 2.60005299E-6 : f32
          %mul3A_795 = vector.broadcast %mul3A_794 : f32 to vector<16xf32>
          %mul3A_796 = arith.mulf %mul3A_795, %mul3A_793 : vector<16xf32>
          %add3A_797 = arith.constant -1.98066118E-4 : f32
          %add3A_798 = vector.broadcast %add3A_797 : f32 to vector<16xf32>
          %add3A_799 = arith.addf %mul3A_796, %add3A_798 : vector<16xf32>
          %mul3A_800 = arith.mulf %add3A_799, %mul3A_793 : vector<16xf32>
          %add3A_801 = arith.constant 0.00833301712 : f32
          %add3A_802 = vector.broadcast %add3A_801 : f32 to vector<16xf32>
          %add3A_803 = arith.addf %mul3A_800, %add3A_802 : vector<16xf32>
          %mul3A_804 = arith.mulf %add3A_803, %mul3A_793 : vector<16xf32>
          %add3A_805 = arith.constant -0.166666567 : f32
          %add3A_806 = vector.broadcast %add3A_805 : f32 to vector<16xf32>
          %add3A_807 = arith.addf %mul3A_804, %add3A_806 : vector<16xf32>
          %mul3A_808 = arith.mulf %add3A_807, %mul3A_793 : vector<16xf32>
          %mul3A_809 = arith.mulf %sub3A_792, %mul3A_808 : vector<16xf32>
          %add3A_810 = arith.addf %sub3A_792, %mul3A_809 : vector<16xf32>
          %and3A_811 = arith.constant 1 : i32
          %and3A_812 = vector.broadcast %and3A_811 : i32 to vector<16xi32>
          %and3A_813 = arith.andi %bitcast_convert_type3A_784, %and3A_812 : vector<16xi32>
          %shift_left3A_814 = arith.constant 31 : i32
          %shift_left3A_815 = vector.broadcast %shift_left3A_814 : i32 to vector<16xi32>
          %shift_left3A_816 = arith.shli %and3A_813, %shift_left3A_815 : vector<16xi32>
          %bitcast_convert_type3A_817 = tpu.bitcast %add3A_810 : vector<16xf32> -> vector<16xi32>
          %xor3A_818 = arith.xori %bitcast_convert_type3A_817, %shift_left3A_816 : vector<16xi32>
          %bitcast_convert_type3A_819 = tpu.bitcast %xor3A_818 : vector<16xi32> -> vector<16xf32>
          %bitcast_convert_type3A_820 = tpu.bitcast %bitcast_convert_type3A_819 : vector<16xf32> -> vector<16xi32>
          %add3A_821 = arith.constant 32767 : i32
          %add3A_822 = vector.broadcast %add3A_821 : i32 to vector<16xi32>
          %add3A_823 = arith.addi %bitcast_convert_type3A_820, %add3A_822 : vector<16xi32>
          %shift_right_arithmetic3A_824 = arith.constant 16 : i32
          %shift_right_arithmetic3A_825 = vector.broadcast %shift_right_arithmetic3A_824 : i32 to vector<16xi32>
          %shift_right_arithmetic3A_826 = arith.shrsi %bitcast_convert_type3A_820, %shift_right_arithmetic3A_825 : vector<16xi32>
          %and3A_827 = arith.constant 1 : i32
          %and3A_828 = vector.broadcast %and3A_827 : i32 to vector<16xi32>
          %and3A_829 = arith.andi %shift_right_arithmetic3A_826, %and3A_828 : vector<16xi32>
          %add3A_830 = arith.addi %add3A_823, %and3A_829 : vector<16xi32>
          %and3A_831 = arith.constant -65536 : i32
          %and3A_832 = vector.broadcast %and3A_831 : i32 to vector<16xi32>
          %and3A_833 = arith.andi %add3A_830, %and3A_832 : vector<16xi32>
          %bitcast_convert_type3A_834 = tpu.bitcast %and3A_833 : vector<16xi32> -> vector<16xf32>
          %mul3A_835 = arith.mulf %bitcast_convert_type3A_834, %get3A_9 : vector<16xf32>
          %add3A_836 = arith.addf %add3A_767, %mul3A_835 : vector<16xf32>
          %get3A_837 = arith.index_cast %add3A_627 : i32 to index
          %get3A_838 = arith.constant 48 : index
          %get3A_839 = tpu.vector_load %arg9[%get3A_837, %get3A_838] {strides = array<i32>} : memref<80x128xf32, #tpu.memory_space<vmem>>, vector<16xf32>,
          %get3A_840 = arith.index_cast %add3A_627 : i32 to index
          %get3A_841 = arith.constant 48 : index
          %get3A_842 = tpu.vector_load %arg10[%get3A_840, %get3A_841] {strides = array<i32>} : memref<80x128xf32, #tpu.memory_space<vmem>>, vector<16xf32>,
          %sub3A_843 = arith.subf %get3A_839, %get3A_842 : vector<16xf32>
          %mul3A_844 = arith.constant 0.318309873 : f32
          %mul3A_845 = vector.broadcast %mul3A_844 : f32 to vector<16xf32>
          %mul3A_846 = arith.mulf %sub3A_843, %mul3A_845 : vector<16xf32>
          %add3A_847 = arith.constant 0x4B400000 : f32
          %add3A_848 = vector.broadcast %add3A_847 : f32 to vector<16xf32>
          %add3A_849 = arith.addf %mul3A_846, %add3A_848 : vector<16xf32>
          %sub3A_850 = arith.constant 0x4B400000 : f32
          %sub3A_851 = vector.broadcast %sub3A_850 : f32 to vector<16xf32>
          %sub3A_852 = arith.subf %add3A_849, %sub3A_851 : vector<16xf32>
          %bitcast_convert_type3A_853 = tpu.bitcast %add3A_849 : vector<16xf32> -> vector<16xi32>
          %mul3A_854 = arith.constant 3.14159274 : f32
          %mul3A_855 = vector.broadcast %mul3A_854 : f32 to vector<16xf32>
          %mul3A_856 = arith.mulf %sub3A_852, %mul3A_855 : vector<16xf32>
          %sub3A_857 = arith.subf %sub3A_843, %mul3A_856 : vector<16xf32>
          %mul3A_858 = arith.constant -8.74227765E-8 : f32
          %mul3A_859 = vector.broadcast %mul3A_858 : f32 to vector<16xf32>
          %mul3A_860 = arith.mulf %sub3A_852, %mul3A_859 : vector<16xf32>
          %sub3A_861 = arith.subf %sub3A_857, %mul3A_860 : vector<16xf32>
          %mul3A_862 = arith.mulf %sub3A_861, %sub3A_861 : vector<16xf32>
          %mul3A_863 = arith.constant 2.60005299E-6 : f32
          %mul3A_864 = vector.broadcast %mul3A_863 : f32 to vector<16xf32>
          %mul3A_865 = arith.mulf %mul3A_864, %mul3A_862 : vector<16xf32>
          %add3A_866 = arith.constant -1.98066118E-4 : f32
          %add3A_867 = vector.broadcast %add3A_866 : f32 to vector<16xf32>
          %add3A_868 = arith.addf %mul3A_865, %add3A_867 : vector<16xf32>
          %mul3A_869 = arith.mulf %add3A_868, %mul3A_862 : vector<16xf32>
          %add3A_870 = arith.constant 0.00833301712 : f32
          %add3A_871 = vector.broadcast %add3A_870 : f32 to vector<16xf32>
          %add3A_872 = arith.addf %mul3A_869, %add3A_871 : vector<16xf32>
          %mul3A_873 = arith.mulf %add3A_872, %mul3A_862 : vector<16xf32>
          %add3A_874 = arith.constant -0.166666567 : f32
          %add3A_875 = vector.broadcast %add3A_874 : f32 to vector<16xf32>
          %add3A_876 = arith.addf %mul3A_873, %add3A_875 : vector<16xf32>
          %mul3A_877 = arith.mulf %add3A_876, %mul3A_862 : vector<16xf32>
          %mul3A_878 = arith.mulf %sub3A_861, %mul3A_877 : vector<16xf32>
          %add3A_879 = arith.addf %sub3A_861, %mul3A_878 : vector<16xf32>
          %and3A_880 = arith.constant 1 : i32
          %and3A_881 = vector.broadcast %and3A_880 : i32 to vector<16xi32>
          %and3A_882 = arith.andi %bitcast_convert_type3A_853, %and3A_881 : vector<16xi32>
          %shift_left3A_883 = arith.constant 31 : i32
          %shift_left3A_884 = vector.broadcast %shift_left3A_883 : i32 to vector<16xi32>
          %shift_left3A_885 = arith.shli %and3A_882, %shift_left3A_884 : vector<16xi32>
          %bitcast_convert_type3A_886 = tpu.bitcast %add3A_879 : vector<16xf32> -> vector<16xi32>
          %xor3A_887 = arith.xori %bitcast_convert_type3A_886, %shift_left3A_885 : vector<16xi32>
          %bitcast_convert_type3A_888 = tpu.bitcast %xor3A_887 : vector<16xi32> -> vector<16xf32>
          %bitcast_convert_type3A_889 = tpu.bitcast %bitcast_convert_type3A_888 : vector<16xf32> -> vector<16xi32>
          %add3A_890 = arith.constant 32767 : i32
          %add3A_891 = vector.broadcast %add3A_890 : i32 to vector<16xi32>
          %add3A_892 = arith.addi %bitcast_convert_type3A_889, %add3A_891 : vector<16xi32>
          %shift_right_arithmetic3A_893 = arith.constant 16 : i32
          %shift_right_arithmetic3A_894 = vector.broadcast %shift_right_arithmetic3A_893 : i32 to vector<16xi32>
          %shift_right_arithmetic3A_895 = arith.shrsi %bitcast_convert_type3A_889, %shift_right_arithmetic3A_894 : vector<16xi32>
          %and3A_896 = arith.constant 1 : i32
          %and3A_897 = vector.broadcast %and3A_896 : i32 to vector<16xi32>
          %and3A_898 = arith.andi %shift_right_arithmetic3A_895, %and3A_897 : vector<16xi32>
          %add3A_899 = arith.addi %add3A_892, %and3A_898 : vector<16xi32>
          %and3A_900 = arith.constant -65536 : i32
          %and3A_901 = vector.broadcast %and3A_900 : i32 to vector<16xi32>
          %and3A_902 = arith.andi %add3A_899, %and3A_901 : vector<16xi32>
          %bitcast_convert_type3A_903 = tpu.bitcast %and3A_902 : vector<16xi32> -> vector<16xf32>
          %mul3A_904 = arith.mulf %bitcast_convert_type3A_903, %get3A_11 : vector<16xf32>
          %add3A_905 = arith.addf %add3A_836, %mul3A_904 : vector<16xf32>
          %get3A_906 = arith.index_cast %add3A_627 : i32 to index
          %get3A_907 = arith.constant 64 : index
          %get3A_908 = tpu.vector_load %arg9[%get3A_906, %get3A_907] {strides = array<i32>} : memref<80x128xf32, #tpu.memory_space<vmem>>, vector<16xf32>,
          %get3A_909 = arith.index_cast %add3A_627 : i32 to index
          %get3A_910 = arith.constant 64 : index
          %get3A_911 = tpu.vector_load %arg10[%get3A_909, %get3A_910] {strides = array<i32>} : memref<80x128xf32, #tpu.memory_space<vmem>>, vector<16xf32>,
          %sub3A_912 = arith.subf %get3A_908, %get3A_911 : vector<16xf32>
          %mul3A_913 = arith.constant 0.318309873 : f32
          %mul3A_914 = vector.broadcast %mul3A_913 : f32 to vector<16xf32>
          %mul3A_915 = arith.mulf %sub3A_912, %mul3A_914 : vector<16xf32>
          %add3A_916 = arith.constant 0x4B400000 : f32
          %add3A_917 = vector.broadcast %add3A_916 : f32 to vector<16xf32>
          %add3A_918 = arith.addf %mul3A_915, %add3A_917 : vector<16xf32>
          %sub3A_919 = arith.constant 0x4B400000 : f32
          %sub3A_920 = vector.broadcast %sub3A_919 : f32 to vector<16xf32>
          %sub3A_921 = arith.subf %add3A_918, %sub3A_920 : vector<16xf32>
          %bitcast_convert_type3A_922 = tpu.bitcast %add3A_918 : vector<16xf32> -> vector<16xi32>
          %mul3A_923 = arith.constant 3.14159274 : f32
          %mul3A_924 = vector.broadcast %mul3A_923 : f32 to vector<16xf32>
          %mul3A_925 = arith.mulf %sub3A_921, %mul3A_924 : vector<16xf32>
          %sub3A_926 = arith.subf %sub3A_912, %mul3A_925 : vector<16xf32>
          %mul3A_927 = arith.constant -8.74227765E-8 : f32
          %mul3A_928 = vector.broadcast %mul3A_927 : f32 to vector<16xf32>
          %mul3A_929 = arith.mulf %sub3A_921, %mul3A_928 : vector<16xf32>
          %sub3A_930 = arith.subf %sub3A_926, %mul3A_929 : vector<16xf32>
          %mul3A_931 = arith.mulf %sub3A_930, %sub3A_930 : vector<16xf32>
          %mul3A_932 = arith.constant 2.60005299E-6 : f32
          %mul3A_933 = vector.broadcast %mul3A_932 : f32 to vector<16xf32>
          %mul3A_934 = arith.mulf %mul3A_933, %mul3A_931 : vector<16xf32>
          %add3A_935 = arith.constant -1.98066118E-4 : f32
          %add3A_936 = vector.broadcast %add3A_935 : f32 to vector<16xf32>
          %add3A_937 = arith.addf %mul3A_934, %add3A_936 : vector<16xf32>
          %mul3A_938 = arith.mulf %add3A_937, %mul3A_931 : vector<16xf32>
          %add3A_939 = arith.constant 0.00833301712 : f32
          %add3A_940 = vector.broadcast %add3A_939 : f32 to vector<16xf32>
          %add3A_941 = arith.addf %mul3A_938, %add3A_940 : vector<16xf32>
          %mul3A_942 = arith.mulf %add3A_941, %mul3A_931 : vector<16xf32>
          %add3A_943 = arith.constant -0.166666567 : f32
          %add3A_944 = vector.broadcast %add3A_943 : f32 to vector<16xf32>
          %add3A_945 = arith.addf %mul3A_942, %add3A_944 : vector<16xf32>
          %mul3A_946 = arith.mulf %add3A_945, %mul3A_931 : vector<16xf32>
          %mul3A_947 = arith.mulf %sub3A_930, %mul3A_946 : vector<16xf32>
          %add3A_948 = arith.addf %sub3A_930, %mul3A_947 : vector<16xf32>
          %and3A_949 = arith.constant 1 : i32
          %and3A_950 = vector.broadcast %and3A_949 : i32 to vector<16xi32>
          %and3A_951 = arith.andi %bitcast_convert_type3A_922, %and3A_950 : vector<16xi32>
          %shift_left3A_952 = arith.constant 31 : i32
          %shift_left3A_953 = vector.broadcast %shift_left3A_952 : i32 to vector<16xi32>
          %shift_left3A_954 = arith.shli %and3A_951, %shift_left3A_953 : vector<16xi32>
          %bitcast_convert_type3A_955 = tpu.bitcast %add3A_948 : vector<16xf32> -> vector<16xi32>
          %xor3A_956 = arith.xori %bitcast_convert_type3A_955, %shift_left3A_954 : vector<16xi32>
          %bitcast_convert_type3A_957 = tpu.bitcast %xor3A_956 : vector<16xi32> -> vector<16xf32>
          %bitcast_convert_type3A_958 = tpu.bitcast %bitcast_convert_type3A_957 : vector<16xf32> -> vector<16xi32>
          %add3A_959 = arith.constant 32767 : i32
          %add3A_960 = vector.broadcast %add3A_959 : i32 to vector<16xi32>
          %add3A_961 = arith.addi %bitcast_convert_type3A_958, %add3A_960 : vector<16xi32>
          %shift_right_arithmetic3A_962 = arith.constant 16 : i32
          %shift_right_arithmetic3A_963 = vector.broadcast %shift_right_arithmetic3A_962 : i32 to vector<16xi32>
          %shift_right_arithmetic3A_964 = arith.shrsi %bitcast_convert_type3A_958, %shift_right_arithmetic3A_963 : vector<16xi32>
          %and3A_965 = arith.constant 1 : i32
          %and3A_966 = vector.broadcast %and3A_965 : i32 to vector<16xi32>
          %and3A_967 = arith.andi %shift_right_arithmetic3A_964, %and3A_966 : vector<16xi32>
          %add3A_968 = arith.addi %add3A_961, %and3A_967 : vector<16xi32>
          %and3A_969 = arith.constant -65536 : i32
          %and3A_970 = vector.broadcast %and3A_969 : i32 to vector<16xi32>
          %and3A_971 = arith.andi %add3A_968, %and3A_970 : vector<16xi32>
          %bitcast_convert_type3A_972 = tpu.bitcast %and3A_971 : vector<16xi32> -> vector<16xf32>
          %mul3A_973 = arith.mulf %bitcast_convert_type3A_972, %get3A_13 : vector<16xf32>
          %add3A_974 = arith.addf %add3A_905, %mul3A_973 : vector<16xf32>
          %get3A_975 = arith.index_cast %add3A_627 : i32 to index
          %get3A_976 = arith.constant 80 : index
          %get3A_977 = tpu.vector_load %arg9[%get3A_975, %get3A_976] {strides = array<i32>} : memref<80x128xf32, #tpu.memory_space<vmem>>, vector<16xf32>,
          %get3A_978 = arith.index_cast %add3A_627 : i32 to index
          %get3A_979 = arith.constant 80 : index
          %get3A_980 = tpu.vector_load %arg10[%get3A_978, %get3A_979] {strides = array<i32>} : memref<80x128xf32, #tpu.memory_space<vmem>>, vector<16xf32>,
          %sub3A_981 = arith.subf %get3A_977, %get3A_980 : vector<16xf32>
          %mul3A_982 = arith.constant 0.318309873 : f32
          %mul3A_983 = vector.broadcast %mul3A_982 : f32 to vector<16xf32>
          %mul3A_984 = arith.mulf %sub3A_981, %mul3A_983 : vector<16xf32>
          %add3A_985 = arith.constant 0x4B400000 : f32
          %add3A_986 = vector.broadcast %add3A_985 : f32 to vector<16xf32>
          %add3A_987 = arith.addf %mul3A_984, %add3A_986 : vector<16xf32>
          %sub3A_988 = arith.constant 0x4B400000 : f32
          %sub3A_989 = vector.broadcast %sub3A_988 : f32 to vector<16xf32>
          %sub3A_990 = arith.subf %add3A_987, %sub3A_989 : vector<16xf32>
          %bitcast_convert_type3A_991 = tpu.bitcast %add3A_987 : vector<16xf32> -> vector<16xi32>
          %mul3A_992 = arith.constant 3.14159274 : f32
          %mul3A_993 = vector.broadcast %mul3A_992 : f32 to vector<16xf32>
          %mul3A_994 = arith.mulf %sub3A_990, %mul3A_993 : vector<16xf32>
          %sub3A_995 = arith.subf %sub3A_981, %mul3A_994 : vector<16xf32>
          %mul3A_996 = arith.constant -8.74227765E-8 : f32
          %mul3A_997 = vector.broadcast %mul3A_996 : f32 to vector<16xf32>
          %mul3A_998 = arith.mulf %sub3A_990, %mul3A_997 : vector<16xf32>
          %sub3A_999 = arith.subf %sub3A_995, %mul3A_998 : vector<16xf32>
          %mul3A_1000 = arith.mulf %sub3A_999, %sub3A_999 : vector<16xf32>
          %mul3A_1001 = arith.constant 2.60005299E-6 : f32
          %mul3A_1002 = vector.broadcast %mul3A_1001 : f32 to vector<16xf32>
          %mul3A_1003 = arith.mulf %mul3A_1002, %mul3A_1000 : vector<16xf32>
          %add3A_1004 = arith.constant -1.98066118E-4 : f32
          %add3A_1005 = vector.broadcast %add3A_1004 : f32 to vector<16xf32>
          %add3A_1006 = arith.addf %mul3A_1003, %add3A_1005 : vector<16xf32>
          %mul3A_1007 = arith.mulf %add3A_1006, %mul3A_1000 : vector<16xf32>
          %add3A_1008 = arith.constant 0.00833301712 : f32
          %add3A_1009 = vector.broadcast %add3A_1008 : f32 to vector<16xf32>
          %add3A_1010 = arith.addf %mul3A_1007, %add3A_1009 : vector<16xf32>
          %mul3A_1011 = arith.mulf %add3A_1010, %mul3A_1000 : vector<16xf32>
          %add3A_1012 = arith.constant -0.166666567 : f32
          %add3A_1013 = vector.broadcast %add3A_1012 : f32 to vector<16xf32>
          %add3A_1014 = arith.addf %mul3A_1011, %add3A_1013 : vector<16xf32>
          %mul3A_1015 = arith.mulf %add3A_1014, %mul3A_1000 : vector<16xf32>
          %mul3A_1016 = arith.mulf %sub3A_999, %mul3A_1015 : vector<16xf32>
          %add3A_1017 = arith.addf %sub3A_999, %mul3A_1016 : vector<16xf32>
          %and3A_1018 = arith.constant 1 : i32
          %and3A_1019 = vector.broadcast %and3A_1018 : i32 to vector<16xi32>
          %and3A_1020 = arith.andi %bitcast_convert_type3A_991, %and3A_1019 : vector<16xi32>
          %shift_left3A_1021 = arith.constant 31 : i32
          %shift_left3A_1022 = vector.broadcast %shift_left3A_1021 : i32 to vector<16xi32>
          %shift_left3A_1023 = arith.shli %and3A_1020, %shift_left3A_1022 : vector<16xi32>
          %bitcast_convert_type3A_1024 = tpu.bitcast %add3A_1017 : vector<16xf32> -> vector<16xi32>
          %xor3A_1025 = arith.xori %bitcast_convert_type3A_1024, %shift_left3A_1023 : vector<16xi32>
          %bitcast_convert_type3A_1026 = tpu.bitcast %xor3A_1025 : vector<16xi32> -> vector<16xf32>
          %bitcast_convert_type3A_1027 = tpu.bitcast %bitcast_convert_type3A_1026 : vector<16xf32> -> vector<16xi32>
          %add3A_1028 = arith.constant 32767 : i32
          %add3A_1029 = vector.broadcast %add3A_1028 : i32 to vector<16xi32>
          %add3A_1030 = arith.addi %bitcast_convert_type3A_1027, %add3A_1029 : vector<16xi32>
          %shift_right_arithmetic3A_1031 = arith.constant 16 : i32
          %shift_right_arithmetic3A_1032 = vector.broadcast %shift_right_arithmetic3A_1031 : i32 to vector<16xi32>
          %shift_right_arithmetic3A_1033 = arith.shrsi %bitcast_convert_type3A_1027, %shift_right_arithmetic3A_1032 : vector<16xi32>
          %and3A_1034 = arith.constant 1 : i32
          %and3A_1035 = vector.broadcast %and3A_1034 : i32 to vector<16xi32>
          %and3A_1036 = arith.andi %shift_right_arithmetic3A_1033, %and3A_1035 : vector<16xi32>
          %add3A_1037 = arith.addi %add3A_1030, %and3A_1036 : vector<16xi32>
          %and3A_1038 = arith.constant -65536 : i32
          %and3A_1039 = vector.broadcast %and3A_1038 : i32 to vector<16xi32>
          %and3A_1040 = arith.andi %add3A_1037, %and3A_1039 : vector<16xi32>
          %bitcast_convert_type3A_1041 = tpu.bitcast %and3A_1040 : vector<16xi32> -> vector<16xf32>
          %mul3A_1042 = arith.mulf %bitcast_convert_type3A_1041, %get3A_15 : vector<16xf32>
          %add3A_1043 = arith.addf %add3A_974, %mul3A_1042 : vector<16xf32>
          %get3A_1044 = arith.index_cast %add3A_627 : i32 to index
          %get3A_1045 = arith.constant 96 : index
          %get3A_1046 = tpu.vector_load %arg9[%get3A_1044, %get3A_1045] {strides = array<i32>} : memref<80x128xf32, #tpu.memory_space<vmem>>, vector<16xf32>,
          %get3A_1047 = arith.index_cast %add3A_627 : i32 to index
          %get3A_1048 = arith.constant 96 : index
          %get3A_1049 = tpu.vector_load %arg10[%get3A_1047, %get3A_1048] {strides = array<i32>} : memref<80x128xf32, #tpu.memory_space<vmem>>, vector<16xf32>,
          %sub3A_1050 = arith.subf %get3A_1046, %get3A_1049 : vector<16xf32>
          %mul3A_1051 = arith.constant 0.318309873 : f32
          %mul3A_1052 = vector.broadcast %mul3A_1051 : f32 to vector<16xf32>
          %mul3A_1053 = arith.mulf %sub3A_1050, %mul3A_1052 : vector<16xf32>
          %add3A_1054 = arith.constant 0x4B400000 : f32
          %add3A_1055 = vector.broadcast %add3A_1054 : f32 to vector<16xf32>
          %add3A_1056 = arith.addf %mul3A_1053, %add3A_1055 : vector<16xf32>
          %sub3A_1057 = arith.constant 0x4B400000 : f32
          %sub3A_1058 = vector.broadcast %sub3A_1057 : f32 to vector<16xf32>
          %sub3A_1059 = arith.subf %add3A_1056, %sub3A_1058 : vector<16xf32>
          %bitcast_convert_type3A_1060 = tpu.bitcast %add3A_1056 : vector<16xf32> -> vector<16xi32>
          %mul3A_1061 = arith.constant 3.14159274 : f32
          %mul3A_1062 = vector.broadcast %mul3A_1061 : f32 to vector<16xf32>
          %mul3A_1063 = arith.mulf %sub3A_1059, %mul3A_1062 : vector<16xf32>
          %sub3A_1064 = arith.subf %sub3A_1050, %mul3A_1063 : vector<16xf32>
          %mul3A_1065 = arith.constant -8.74227765E-8 : f32
          %mul3A_1066 = vector.broadcast %mul3A_1065 : f32 to vector<16xf32>
          %mul3A_1067 = arith.mulf %sub3A_1059, %mul3A_1066 : vector<16xf32>
          %sub3A_1068 = arith.subf %sub3A_1064, %mul3A_1067 : vector<16xf32>
          %mul3A_1069 = arith.mulf %sub3A_1068, %sub3A_1068 : vector<16xf32>
          %mul3A_1070 = arith.constant 2.60005299E-6 : f32
          %mul3A_1071 = vector.broadcast %mul3A_1070 : f32 to vector<16xf32>
          %mul3A_1072 = arith.mulf %mul3A_1071, %mul3A_1069 : vector<16xf32>
          %add3A_1073 = arith.constant -1.98066118E-4 : f32
          %add3A_1074 = vector.broadcast %add3A_1073 : f32 to vector<16xf32>
          %add3A_1075 = arith.addf %mul3A_1072, %add3A_1074 : vector<16xf32>
          %mul3A_1076 = arith.mulf %add3A_1075, %mul3A_1069 : vector<16xf32>
          %add3A_1077 = arith.constant 0.00833301712 : f32
          %add3A_1078 = vector.broadcast %add3A_1077 : f32 to vector<16xf32>
          %add3A_1079 = arith.addf %mul3A_1076, %add3A_1078 : vector<16xf32>
          %mul3A_1080 = arith.mulf %add3A_1079, %mul3A_1069 : vector<16xf32>
          %add3A_1081 = arith.constant -0.166666567 : f32
          %add3A_1082 = vector.broadcast %add3A_1081 : f32 to vector<16xf32>
          %add3A_1083 = arith.addf %mul3A_1080, %add3A_1082 : vector<16xf32>
          %mul3A_1084 = arith.mulf %add3A_1083, %mul3A_1069 : vector<16xf32>
          %mul3A_1085 = arith.mulf %sub3A_1068, %mul3A_1084 : vector<16xf32>
          %add3A_1086 = arith.addf %sub3A_1068, %mul3A_1085 : vector<16xf32>
          %and3A_1087 = arith.constant 1 : i32
          %and3A_1088 = vector.broadcast %and3A_1087 : i32 to vector<16xi32>
          %and3A_1089 = arith.andi %bitcast_convert_type3A_1060, %and3A_1088 : vector<16xi32>
          %shift_left3A_1090 = arith.constant 31 : i32
          %shift_left3A_1091 = vector.broadcast %shift_left3A_1090 : i32 to vector<16xi32>
          %shift_left3A_1092 = arith.shli %and3A_1089, %shift_left3A_1091 : vector<16xi32>
          %bitcast_convert_type3A_1093 = tpu.bitcast %add3A_1086 : vector<16xf32> -> vector<16xi32>
          %xor3A_1094 = arith.xori %bitcast_convert_type3A_1093, %shift_left3A_1092 : vector<16xi32>
          %bitcast_convert_type3A_1095 = tpu.bitcast %xor3A_1094 : vector<16xi32> -> vector<16xf32>
          %bitcast_convert_type3A_1096 = tpu.bitcast %bitcast_convert_type3A_1095 : vector<16xf32> -> vector<16xi32>
          %add3A_1097 = arith.constant 32767 : i32
          %add3A_1098 = vector.broadcast %add3A_1097 : i32 to vector<16xi32>
          %add3A_1099 = arith.addi %bitcast_convert_type3A_1096, %add3A_1098 : vector<16xi32>
          %shift_right_arithmetic3A_1100 = arith.constant 16 : i32
          %shift_right_arithmetic3A_1101 = vector.broadcast %shift_right_arithmetic3A_1100 : i32 to vector<16xi32>
          %shift_right_arithmetic3A_1102 = arith.shrsi %bitcast_convert_type3A_1096, %shift_right_arithmetic3A_1101 : vector<16xi32>
          %and3A_1103 = arith.constant 1 : i32
          %and3A_1104 = vector.broadcast %and3A_1103 : i32 to vector<16xi32>
          %and3A_1105 = arith.andi %shift_right_arithmetic3A_1102, %and3A_1104 : vector<16xi32>
          %add3A_1106 = arith.addi %add3A_1099, %and3A_1105 : vector<16xi32>
          %and3A_1107 = arith.constant -65536 : i32
          %and3A_1108 = vector.broadcast %and3A_1107 : i32 to vector<16xi32>
          %and3A_1109 = arith.andi %add3A_1106, %and3A_1108 : vector<16xi32>
          %bitcast_convert_type3A_1110 = tpu.bitcast %and3A_1109 : vector<16xi32> -> vector<16xf32>
          %mul3A_1111 = arith.mulf %bitcast_convert_type3A_1110, %get3A_17 : vector<16xf32>
          %add3A_1112 = arith.addf %add3A_1043, %mul3A_1111 : vector<16xf32>
          %get3A_1113 = arith.index_cast %add3A_627 : i32 to index
          %get3A_1114 = arith.constant 112 : index
          %get3A_1115 = tpu.vector_load %arg9[%get3A_1113, %get3A_1114] {strides = array<i32>} : memref<80x128xf32, #tpu.memory_space<vmem>>, vector<16xf32>,
          %get3A_1116 = arith.index_cast %add3A_627 : i32 to index
          %get3A_1117 = arith.constant 112 : index
          %get3A_1118 = tpu.vector_load %arg10[%get3A_1116, %get3A_1117] {strides = array<i32>} : memref<80x128xf32, #tpu.memory_space<vmem>>, vector<16xf32>,
          %sub3A_1119 = arith.subf %get3A_1115, %get3A_1118 : vector<16xf32>
          %mul3A_1120 = arith.constant 0.318309873 : f32
          %mul3A_1121 = vector.broadcast %mul3A_1120 : f32 to vector<16xf32>
          %mul3A_1122 = arith.mulf %sub3A_1119, %mul3A_1121 : vector<16xf32>
          %add3A_1123 = arith.constant 0x4B400000 : f32
          %add3A_1124 = vector.broadcast %add3A_1123 : f32 to vector<16xf32>
          %add3A_1125 = arith.addf %mul3A_1122, %add3A_1124 : vector<16xf32>
          %sub3A_1126 = arith.constant 0x4B400000 : f32
          %sub3A_1127 = vector.broadcast %sub3A_1126 : f32 to vector<16xf32>
          %sub3A_1128 = arith.subf %add3A_1125, %sub3A_1127 : vector<16xf32>
          %bitcast_convert_type3A_1129 = tpu.bitcast %add3A_1125 : vector<16xf32> -> vector<16xi32>
          %mul3A_1130 = arith.constant 3.14159274 : f32
          %mul3A_1131 = vector.broadcast %mul3A_1130 : f32 to vector<16xf32>
          %mul3A_1132 = arith.mulf %sub3A_1128, %mul3A_1131 : vector<16xf32>
          %sub3A_1133 = arith.subf %sub3A_1119, %mul3A_1132 : vector<16xf32>
          %mul3A_1134 = arith.constant -8.74227765E-8 : f32
          %mul3A_1135 = vector.broadcast %mul3A_1134 : f32 to vector<16xf32>
          %mul3A_1136 = arith.mulf %sub3A_1128, %mul3A_1135 : vector<16xf32>
          %sub3A_1137 = arith.subf %sub3A_1133, %mul3A_1136 : vector<16xf32>
          %mul3A_1138 = arith.mulf %sub3A_1137, %sub3A_1137 : vector<16xf32>
          %mul3A_1139 = arith.constant 2.60005299E-6 : f32
          %mul3A_1140 = vector.broadcast %mul3A_1139 : f32 to vector<16xf32>
          %mul3A_1141 = arith.mulf %mul3A_1140, %mul3A_1138 : vector<16xf32>
          %add3A_1142 = arith.constant -1.98066118E-4 : f32
          %add3A_1143 = vector.broadcast %add3A_1142 : f32 to vector<16xf32>
          %add3A_1144 = arith.addf %mul3A_1141, %add3A_1143 : vector<16xf32>
          %mul3A_1145 = arith.mulf %add3A_1144, %mul3A_1138 : vector<16xf32>
          %add3A_1146 = arith.constant 0.00833301712 : f32
          %add3A_1147 = vector.broadcast %add3A_1146 : f32 to vector<16xf32>
          %add3A_1148 = arith.addf %mul3A_1145, %add3A_1147 : vector<16xf32>
          %mul3A_1149 = arith.mulf %add3A_1148, %mul3A_1138 : vector<16xf32>
          %add3A_1150 = arith.constant -0.166666567 : f32
          %add3A_1151 = vector.broadcast %add3A_1150 : f32 to vector<16xf32>
          %add3A_1152 = arith.addf %mul3A_1149, %add3A_1151 : vector<16xf32>
          %mul3A_1153 = arith.mulf %add3A_1152, %mul3A_1138 : vector<16xf32>
          %mul3A_1154 = arith.mulf %sub3A_1137, %mul3A_1153 : vector<16xf32>
          %add3A_1155 = arith.addf %sub3A_1137, %mul3A_1154 : vector<16xf32>
          %and3A_1156 = arith.constant 1 : i32
          %and3A_1157 = vector.broadcast %and3A_1156 : i32 to vector<16xi32>
          %and3A_1158 = arith.andi %bitcast_convert_type3A_1129, %and3A_1157 : vector<16xi32>
          %shift_left3A_1159 = arith.constant 31 : i32
          %shift_left3A_1160 = vector.broadcast %shift_left3A_1159 : i32 to vector<16xi32>
          %shift_left3A_1161 = arith.shli %and3A_1158, %shift_left3A_1160 : vector<16xi32>
          %bitcast_convert_type3A_1162 = tpu.bitcast %add3A_1155 : vector<16xf32> -> vector<16xi32>
          %xor3A_1163 = arith.xori %bitcast_convert_type3A_1162, %shift_left3A_1161 : vector<16xi32>
          %bitcast_convert_type3A_1164 = tpu.bitcast %xor3A_1163 : vector<16xi32> -> vector<16xf32>
          %bitcast_convert_type3A_1165 = tpu.bitcast %bitcast_convert_type3A_1164 : vector<16xf32> -> vector<16xi32>
          %add3A_1166 = arith.constant 32767 : i32
          %add3A_1167 = vector.broadcast %add3A_1166 : i32 to vector<16xi32>
          %add3A_1168 = arith.addi %bitcast_convert_type3A_1165, %add3A_1167 : vector<16xi32>
          %shift_right_arithmetic3A_1169 = arith.constant 16 : i32
          %shift_right_arithmetic3A_1170 = vector.broadcast %shift_right_arithmetic3A_1169 : i32 to vector<16xi32>
          %shift_right_arithmetic3A_1171 = arith.shrsi %bitcast_convert_type3A_1165, %shift_right_arithmetic3A_1170 : vector<16xi32>
          %and3A_1172 = arith.constant 1 : i32
          %and3A_1173 = vector.broadcast %and3A_1172 : i32 to vector<16xi32>
          %and3A_1174 = arith.andi %shift_right_arithmetic3A_1171, %and3A_1173 : vector<16xi32>
          %add3A_1175 = arith.addi %add3A_1168, %and3A_1174 : vector<16xi32>
          %and3A_1176 = arith.constant -65536 : i32
          %and3A_1177 = vector.broadcast %and3A_1176 : i32 to vector<16xi32>
          %and3A_1178 = arith.andi %add3A_1175, %and3A_1177 : vector<16xi32>
          %bitcast_convert_type3A_1179 = tpu.bitcast %and3A_1178 : vector<16xi32> -> vector<16xf32>
          %mul3A_1180 = arith.mulf %bitcast_convert_type3A_1179, %get3A_19 : vector<16xf32>
          %add3A_1181 = arith.addf %add3A_1112, %mul3A_1180 : vector<16xf32>
          %eq3A_1182 = vector.broadcast %scan3A_624 : i32 to vector<16xi32>
          %eq3A_1183 = arith.cmpi eq, %iota3A, %eq3A_1182 : vector<16xi32>
          %reduce_sum3A_1184 = arith.constant true
          %reduce_sum3A_1185 = vector.broadcast %reduce_sum3A_1184 : i1 to vector<16xi1>
          %reduce_sum3A_1186 = tpu.scan <sum>, %add3A_1181 masked %reduce_sum3A_1185 : vector<16xf32>, vector<16xi1> -> vector<16xf32>
          %reduce_sum3A_1187 = vector.extract %reduce_sum3A_1186[15] : f32 from vector<16xf32>
          %broadcast_in_dim3A_1188 = vector.broadcast %reduce_sum3A_1187 : f32 to vector<16xf32>
          %select_n3A_1189 = arith.select %eq3A_1183, %broadcast_in_dim3A_1188, %select_n3A : vector<16xi1>, vector<16xf32>
          scf.yield %select_n3A_1189 : vector<16xf32>
        }
        %scan3A_52 = arith.constant 16 : i32
        %swap3A = arith.constant 0 : index
        %swap3A_53 = tpu.vector_load %arg13[%swap3A] {strides = array<i32>} : memref<16xf32, #tpu.memory_space<vmem>>, vector<16xf32>,
        tpu.vector_store %arg13[%swap3A], %scan3A_51 {strides = array<i32>} : memref<16xf32, #tpu.memory_space<vmem>>, vector<16xf32>,
        %gather3A = tpu.vector_load_idx %arg13[%xor3A_4] : memref<16xf32, #tpu.memory_space<vmem>>[vector<16xi32>], vector<16xf32>,
        %sub3A = arith.subf %gather3A, %scan3A_51 : vector<16xf32>
        %exp3A = math.exp %sub3A : vector<16xf32>
        %add3A_54 = arith.constant 1.000000e+00 : f32
        %add3A_55 = vector.broadcast %add3A_54 : f32 to vector<16xf32>
        %add3A_56 = arith.addf %add3A_55, %exp3A : vector<16xf32>
        %div3A = arith.constant 1.000000e+00 : f32
        %div3A_57 = vector.broadcast %div3A : f32 to vector<16xf32>
        %div3A_58 = arith.divf %div3A_57, %add3A_56 : vector<16xf32>
        %mul3A_59 = arith.constant 16 : i32
        %mul3A_60 = arith.muli %scan3A_45, %mul3A_59 : i32
        %swap3A_61 = arith.index_cast %mul3A_60 : i32 to index
        %swap3A_62 = tpu.vector_load %arg12[%swap3A_61] {strides = array<i32>} : memref<80xf32, #tpu.memory_space<vmem>>, vector<16xf32>,
        tpu.vector_store %arg12[%swap3A_61], %div3A_58 {strides = array<i32>} : memref<80xf32, #tpu.memory_space<vmem>>, vector<16xf32>,
      }
      %scan3A_44 = arith.constant 5 : i32
      "tpu.region"() ({
        %run_scoped3A = tpu.sem_alloc : memref<!tpu.dma_semaphore, #tpu.memory_space<semaphore_mem>>
        %dma_start3A_45 = tpu.memref_slice %arg6[%add3A_28] : memref<320000xf32, #tpu.memory_space<hbm>> -> memref<80xf32, #tpu.memory_space<hbm>>
        %dma_start3A_46 = tpu.memref_slice %arg6[%add3A_28] : memref<320000xf32, #tpu.memory_space<hbm>> -> memref<80xf32, #tpu.memory_space<hbm>>
        tpu.enqueue_dma source(%arg12 : memref<80xf32, #tpu.memory_space<vmem>>) target(%dma_start3A_46 : memref<80xf32, #tpu.memory_space<hbm>>) target_semaphore(%run_scoped3A : memref<!tpu.dma_semaphore, #tpu.memory_space<semaphore_mem>>)
        %dma_wait3A_47 = tpu.memref_slice %arg6[%add3A_28] : memref<320000xf32, #tpu.memory_space<hbm>> -> memref<80xf32, #tpu.memory_space<hbm>>
        %dma_wait3A_48 = tpu.memref_slice %arg6[%add3A_28] : memref<320000xf32, #tpu.memory_space<hbm>> -> memref<80xf32, #tpu.memory_space<hbm>>
        tpu.wait_dma2 semaphore(%run_scoped3A : memref<!tpu.dma_semaphore, #tpu.memory_space<semaphore_mem>>) src(%arg12 : memref<80xf32, #tpu.memory_space<vmem>>) dst(%dma_wait3A_48 : memref<80xf32, #tpu.memory_space<hbm>>)
        tpu.yield
      }) : () -> ()
    }
    %scan3A_24 = arith.constant 125 : i32
    return
  }
}

module attributes {stable_mosaic.version = 14 : i64} {
  func.func @_wq_body(%arg0: memref<1x128xf32, #tpu.memory_space<vmem>>, %arg1: memref<1x128xf32, #tpu.memory_space<vmem>>) attributes {dimension_semantics = [], scalar_prefetch = 0 : i64, scratch_operands = 0 : i64, tpu.core_type = #tpu.core_type<tc>} {
    %get3A = arith.constant 0 : index
    %get3A_0 = arith.constant 0 : index
    %get3A_1 = vector.load %arg0[%get3A, %get3A_0] : memref<1x128xf32, #tpu.memory_space<vmem>>, vector<1x128xf32>
    %convert_element_type3A = arith.truncf %get3A_1 : vector<1x128xf32> to vector<1x128xbf16>
    %convert_element_type3A_2 = arith.extf %convert_element_type3A : vector<1x128xbf16> to vector<1x128xf32>
    %swap3A = arith.constant 0 : index
    %swap3A_3 = arith.constant 0 : index
    %swap3A_4 = vector.load %arg1[%swap3A, %swap3A_3] : memref<1x128xf32, #tpu.memory_space<vmem>>, vector<1x128xf32>
    tpu.vector_store %arg1[%swap3A, %swap3A_3], %convert_element_type3A_2 {strides = array<i32>} : memref<1x128xf32, #tpu.memory_space<vmem>>, vector<1x128xf32>,
    return
  }
}

</mosaic_0001>

<sc_bundles>
// kernel: kernel.4.cloned.1.call-start
scs
__scs_entry_jumppad:
0x0: {  	(pc) =	sbr.rel $0x88, $3  }
0x1: {  	(tag) =	ssettag $0x0;
	lr =	simm.s32 $0x1  }
0x2: {  	[smem:$0x3F9E] =	sst lr;
	_ =	strace $0xD0000000  }
0x3: {  	_ = 	snop  }
0x4: {  	_ = 	snop  }
0x5: {  	_ = 	snop  }
0x6: {  	_ = 	snop  }
0x7: {  	_ = 	snop  }
__scs_overlays_trampoline_lowered:
0x8: {  	[smem:$0x3FAD] =	sst s0  }
0x9: {  	[smem:$0x3FAE] =	sst s1  }
0xa: {  	[smem:$0x3FAF] =	sst s2  }
0xb: {  	[smem:$0x3FB0] =	sst s3  }
0xc: {  	[smem:$0x3FB1] =	sst s4  }
0xd: {  	[smem:$0x3FB2] =	sst s5  }
0xe: {  	[smem:$0x3FB3] =	sst s6  }
0xf: {  	[smem:$0x3FB4] =	sst s7  }
0x10: {  	[smem:$0x3FB5] =	sst s8  }
0x11: {  	[smem:$0x3FB6] =	sst s9;
	s0 =	simm.s32 @!p0 $0x0  }
0x12: {  	s1 =	sld [smem:$0x3F9C];
	s0 =	simm.s32 @p0 $0x1  }
0x13: {  	[smem:$0x3FB7] =	sst s0;
	s0 =	simm.s32 @!p1 $0x0  }
0x14: {  	s2 =	sld [smem:$0x3F9B];
	s0 =	simm.s32 @p1 $0x1  }
0x15: {  	[smem:$0x3FB8] =	sst s0;
	s0 =	simm.s32 @!p2 $0x0  }
0x16: {  	s3 =	sld [smem:$0x3FDB];
	s0 =	simm.s32 @p2 $0x1  }
0x17: {  	s4 =	simm.s32 $0x1BF5;
	[smem:$0x3FBA] =	sst s0  }
0x18: {  	s0 =	sld [smem:$0x3F9D];
	_ =	swait.ge [sflag:s4], $0x0  }
0x19: {  	s7 =	sld [smem:$0x3F9E]  }
0x1a: {  	s8 =	sadd.s32 $0xFFFFE003, lr  }
0x1b: {  	s9 =	sadd.s32 $0xFFFFFEF7, lr;
	s5 =	simm.s32 $0xFFFFFFFF;
	p2 =	slt.u32 s8, $0xFFFFF086  }
0x1c: {  	p1 =	slt.u32 s9, $0xF7A;
	s5 =	simm.s32 @!p2 $0x0  }
0x1d: {  	s5 =	simm.s32 @p1 $0x1;
	p0 =	seq.s32 s7, s2  }
0x1e: {  	s7 =	smul.u32 @!p0 $0xF7A, s2;
	p2 =	seq.s32 @!p0 s5, $0x0  }
0x1f: {  	s9 =	smul.u32 $0xF7A, s1;
	s8 =	simm.s32 @!p0 $0x1BF5;
	p2 =	por !p2, p0  }
0x20: {  	[sflag:s8] =	ssyncset.s32 @!p0 $0xFFFFF086;
	s6 =	sadd.s32 @!p0 s3, s7;
	s7 =	simm.s32 @!p0 $0x108  }
0x21: {  	s3 =	sadd.s32 s3, s9;
	s6 =	sadd.s32 @!p0 $0x88, s6;
	s7 =	simm.s32 @p2 $0x1082  }
0x22: {  	[simem:s7], [sflag:s8] =	dma.local @!p0 [hbm:s6], $0xF7A  }
0x23: {  	s9 =	sor.u32 $0xD0000000, s2;
	s6 =	simm.s32 $0x108;
	_ =	swait.ge @!p0 [sflag:s8], $0x0  }
0x24: {  	s3 =	sadd.s32 $0x88, s3;
	s6 =	simm.s32 @!p1 $0x1082;
	[sflag:s4] =	ssyncset.s32 $0xFFFFF086  }
0x25: {  	[simem:s6], [sflag:s4] =	dma.local [hbm:s3], $0xF7A  }
0x26: {  	[smem:$0x3F9E] =	sst s1;
	(tag) =	ssettag s2;
	_ =	strace s9  }
0x27: {  	s1 =	sld [smem:$0x3FAE]  }
0x28: {  	s2 =	sld [smem:$0x3FAF]  }
0x29: {  	s4 =	sld [smem:$0x3FB1]  }
0x2a: {  	p0 =	seq.s32 s5, $0x0;
	s5 =	sld [smem:$0x3FB2]  }
0x2b: {  	s6 =	sld [smem:$0x3FB3]  }
0x2c: {  	s7 =	sld [smem:$0x3FB4]  }
0x2d: {  	s3 =	simm.s32 $0x108;
	s8 =	sld [smem:$0x3FB5]  }
0x2e: {  	s3 =	simm.s32 @!p0 $0x1082;
	s9 =	sld [smem:$0x3FB6]  }
0x2f: {  	lr =	sadd.s32 s0, s3;
	s0 =	sld [smem:$0x3FAD]  }
0x30: {  	s3 =	sld [smem:$0x3FB0]  }
0x31: {  	[smem:$0x3FB9] =	sst s10  }
0x32: {  	s10 =	sld [smem:$0x3FB7];
	_ =	sdelay $0x3  }
0x33: {  	p0 =	seq.s32 s10, $0x1;
	s10 =	sld [smem:$0x3FB9];
	_ =	sdelay $0x3  }
0x34: {  	[smem:$0x3FB9] =	sst s10  }
0x35: {  	s10 =	sld [smem:$0x3FB8];
	_ =	sdelay $0x3  }
0x36: {  	p1 =	seq.s32 s10, $0x1;
	s10 =	sld [smem:$0x3FB9];
	_ =	sdelay $0x3  }
0x37: {  	[smem:$0x3FB9] =	sst s10  }
0x38: {  	s10 =	sld [smem:$0x3FBA]  }
0x39: {  	_ = 	snop;
	(pc) =	sbr.ind lr, $3  }
0x3a: {  	_ = 	snop  }
0x3b: {  	_ = 	snop  }
0x3c: {  	p2 =	seq.s32 s10, $0x1;
	s10 =	sld [smem:$0x3FB9]  }
0x3d: {  	_ =	shalt  }
0x3e: {  	_ =	shalt  }
0x3f: {  	_ =	shalt  }
0x40: {  	_ =	shalt  }
0x41: {  	_ =	shalt  }
0x42: {  	_ =	shalt  }
0x43: {  	_ =	shalt  }
0x44: {  	_ =	shalt  }
0x45: {  	_ =	shalt  }
0x46: {  	_ =	shalt  }
0x47: {  	_ =	shalt  }
0x48: {  	_ =	shalt  }
0x49: {  	_ =	shalt  }
0x4a: {  	_ =	shalt  }
0x4b: {  	_ =	shalt  }
0x4c: {  	_ =	shalt  }
0x4d: {  	_ =	shalt  }
0x4e: {  	_ =	shalt  }
0x4f: {  	_ =	shalt  }
0x50: {  	_ =	shalt  }
0x51: {  	_ =	shalt  }
0x52: {  	_ =	shalt  }
0x53: {  	_ =	shalt  }
0x54: {  	_ =	shalt  }
0x55: {  	_ =	shalt  }
0x56: {  	_ =	shalt  }
0x57: {  	_ =	shalt  }
0x58: {  	_ =	shalt  }
0x59: {  	_ =	shalt  }
0x5a: {  	_ =	shalt  }
0x5b: {  	_ =	shalt  }
0x5c: {  	_ =	shalt  }
0x5d: {  	_ =	shalt  }
0x5e: {  	_ =	shalt  }
0x5f: {  	_ =	shalt  }
0x60: {  	_ =	shalt  }
0x61: {  	_ =	shalt  }
0x62: {  	_ =	shalt  }
0x63: {  	_ =	shalt  }
0x64: {  	_ =	shalt  }
0x65: {  	_ =	shalt  }
0x66: {  	_ =	shalt  }
0x67: {  	_ =	shalt  }
0x68: {  	_ =	shalt  }
0x69: {  	_ =	shalt  }
0x6a: {  	_ =	shalt  }
0x6b: {  	_ =	shalt  }
0x6c: {  	_ =	shalt  }
0x6d: {  	_ =	shalt  }
0x6e: {  	_ =	shalt  }
0x6f: {  	_ =	shalt  }
0x70: {  	_ =	shalt  }
0x71: {  	_ =	shalt  }
0x72: {  	_ =	shalt  }
0x73: {  	_ =	shalt  }
0x74: {  	_ =	shalt  }
0x75: {  	_ =	shalt  }
0x76: {  	_ =	shalt  }
0x77: {  	_ =	shalt  }
0x78: {  	_ =	shalt  }
0x79: {  	_ =	shalt  }
0x7a: {  	_ =	shalt  }
0x7b: {  	_ =	shalt  }
0x7c: {  	_ =	shalt  }
0x7d: {  	_ =	shalt  }
0x7e: {  	_ =	shalt  }
0x7f: {  	_ =	shalt  }
0x80: {  	_ =	shalt  }
0x81: {  	_ =	shalt  }
0x82: {  	_ =	shalt  }
0x83: {  	_ =	shalt  }
0x84: {  	_ =	shalt  }
0x85: {  	_ =	shalt  }
0x86: {  	_ =	shalt  }
0x87: {  	_ =	shalt  }
.Lfunc_end0:
.L_simem_size_0:
called_computation_lowered:
.L_overlay_start_0:
0x88: {  	s2 =	sld [smem:$0x3FD9]  }
0x89: {  	s3 =	sld [smem:$0x3FFE];
	_ =	sdelay $0x1  }
0x8a: {  	s1 =	srdreg.scid  }
0x8b: {  	s0 =	sand.u32 $0x1, s1  }
0x8c: {  	s14 =	sshll.u32 s0, $0xA;
	s2 =	sadd.s32 s3, s2  }
0x8d: {  	s2 =	sadd.s32 s2, s14  }
0x8e: {  	[smem:$0x3FC5] =	sst s2  }
0x8f: {  	_ = 	snop  }
0x90: {  	s2 =	sld [smem:$0x3FD0];
	_ =	sdelay $0x2  }
0x91: {  	s4 =	simm.s32 $0xA;
	s5 =	simm.s32 $0x10;
	s15 =	sld [smem:$0x3FC9]  }
0x92: {  	[smem:s5], [sflag:s4] =	dma.local [hbm:s2], $0x1  }
0x93: {  	_ =	swait.eq [sflag:s4], $0x1  }
0x94: {  	[sflag:s4] =	ssyncset.done $0x0  }
0x95: {  	[sflag:s4] =	ssyncadd.s32 $0xFFFFFFFF  }
0x96: {  	s16 =	sld [smem:$0x11];
	(tm) =	ssettm $0x1  }
0x97: {  	s17 =	sld [smem:$0x3FFB];
	_ =	sdelay $0x3  }
0x98: {  	_ =	strace s17  }
0x99: {  	s4 =	sld [smem:$0x3FFC];
	_ =	sdelay $0x3  }
0x9a: {  	_ =	strace s4  }
0x9b: {  	s4 =	sld [smem:$0x3FFD];
	_ =	sdelay $0x3  }
0x9c: {  	_ =	strace s4  }
0x9d: {  	_ =	strace $0x8FFFFFFF  }
0x9e: {  	s18 =	sld [smem:$0x3FDB];
	_ =	sdelay $0x1  }
0x9f: {  	s19 =	simm.s32 $_scs_section_size  }
0xa0: {  	s6 =	simm.s32 $_size__tile_overlayer_lowered;
	s7 =	simm.s32 $_tile_overlayer_lowered  }
0xa1: {  	s22 =	simm.s32 $0x1BFF;
	s21 =	sshll.u32 s7, $0x1;
	s4 =	sadd.s32 s19, s18  }
0xa2: {  	s8 =	simm.s32 $0x0;
	s20 =	sshll.u32 s6, $0x1;
	s6 =	sadd.s32 s21, s4  }
0xa3: {  	[timem:s8], [sflag:s22] =	dma.local [hbm:s6], s20  }
0xa4: {  	_ =	swait.ge [sflag:s22], s20  }
0xa5: {  	s5 =	ssub.s32 $0x0, s20;
	[sflag:s22] =	ssyncset.done $0x0  }
0xa6: {  	[sflag:s22] =	ssyncadd.s32 s5;
	_ =	sdelay $0x1  }
0xa7: {  	s23 =	simm.s32 $0x1B8B  }
0xa8: {  	_ =	swait.ge [sflag:s23], $0x1  }
0xa9: {  	[sflag:s23] =	ssyncset.done $0x0  }
0xaa: {  	s25 =	simm.s32 $0x1B8E;
	s24 =	sld [smem:$0x3FFE];
	[sflag:s23] =	ssyncadd.s32 $0xFFFFFFFF  }
0xab: {  	s26 =	simm.s32 $execute0_lowered;
	[smem:$0x3FD2] =	sst s25  }
0xac: {  	s6 =	sshll.u32 s26, $0x1;
	_ =	strace $0x80000046;
	[dreg:$0x1] =	wrdreg $0xFFFFFFFF  }
0xad: {  	s28 =	simm.s32 $_size_execute0_lowered;
	s4 =	sadd.s32 s4, s6;
	[dreg:$0x0] =	wrdreg $0x0  }
0xae: {  	s6 =	sshll.u32 s28, $0x1;
	[dreg:$0x2] =	wrdreg s4  }
0xaf: {  	[dreg:$0x3] =	wrdreg s6  }
0xb0: {  	[dreg:$0x4] =	wrdreg $0xC0  }
0xb1: {  	_ =	task [dreg:s8], $0x5FFFF  }
0xb2: {  	[dreg:$0x1] =	wrdreg $0xFFFFFFFF  }
0xb3: {  	[dreg:$0x0] =	wrdreg $0x60  }
0xb4: {  	[dreg:$0x2] =	wrdreg s15  }
0xb5: {  	[dreg:$0x3] =	wrdreg s24  }
0xb6: {  	[dreg:$0x4] =	wrdreg s16  }
0xb7: {  	[dreg:$0x5] =	wrdreg $0x9  }
0xb8: {  	_ =	task.clear_ibuf [dreg:s8], $0x6FFFF;
	_ =	strace $0x90000046  }
0xb9: {  	s29 =	simm.s32 $0x9;
	_ =	strace $0x80000048  }
0xba: {  	_ =	swait.ge [sflag:s29], $0x1  }
0xbb: {  	[sflag:s29] =	ssyncadd.s32 $0xFFFFFFFF  }
0xbc: {  	_ =	strace $0x90000048  }
0xbd: {  	_ =	sfence  }
0xbe: {  	s30 =	sld [smem:$0x0];
	_ =	sdelay $0x2  }
0xbf: {  	s31 =	sshll.u32 s1, $0xD;
	s1 =	sshrl.u32 s1, $0x2  }
0xc0: {  	s3 =	sand.u32 $0x4000, s31;
	s1 =	sadd.s32 s1, s30  }
0xc1: {  	s0 =	sor.u32 s3, s0;
	s1 =	sshll.u32 s1, $0x11  }
0xc2: {  	s0 =	sor.u32 s1, s0  }
0xc3: {  	s0 =	sadd.s32 $0x8F2B, s0  }
0xc4: {  	[sflag:s0] =	ssyncadd.remote.s32 $0x1  }
0xc5: {  	_ =	sfence.sel $0xFFFF  }
0xc6: {  	[dreg:$0x0] =	wrdreg $0xFFFFFFFF;
	(pc) =	sbr.abs _section_cstart, $3  }
0xc7: {  	[dreg:$0x1] =	wrdreg $0xFFFFFFFF  }
0xc8: {  	_ =	task.clear_ibuf [dreg:s8], $0x2FFFF;
	_ =	strace $0x9FFFFFFF  }
0xc9: {  	(tm) =	ssettm $0x7FFFFFFF  }
tec
execute0_lowered:
.L_overlay_start_1:
0x0: {  	(tag) =	ssettag $0x1  }
0x1: {  	s1 =	rddreg [dreg:$0x0]  }
0x2: {  	s7 =	rddreg [dreg:$0x1]  }
0x3: {  	s2 =	rddreg [dreg:$0x2]  }
0x4: {  	s0 =	rddreg [dreg:$0x3];
	s3 =	simm.s32 $0x0;
	v0 =	vimm.s32 $0xEFCDAB89;
	v1 =	vimm.s32 $0x67452301  }
0x5: {  	s4 =	srdreg.scid;
	s12 =	simm.s32 $0x50;
	s13 =	simm.s32 $0xA0;
	v0 =	vunpack.c.l.s4.s8 v0;
	v1 =	vunpack.c.l.s4.s8 v1  }
0x6: {  	s14 =	simm.s32 $0x28A0;
	s15 =	simm.s32 $0x1;
	s16 =	simm.s32 $0x5170  }
0x7: {  	s17 =	simm.s32 $0x5120;
	s18 =	simm.s32 $0x0;
	[smem:$0x7FF] =	sst s3;
	v0 =	vunpack.c.0.s8.s32 v0;
	v1 =	vunpack.c.0.s8.s32 v1  }
0x8: {  	s8 =	sand.u32 $0x1, s4;
	s4 =	stileid.u32;
	s5 =	sadd.s32 $0xA000, s7  }
0x9: {  	s6 =	sadd.s32 $0x200, s7;
	s7 =	sadd.s32 $0x13E00, s7;
	s9 =	ssub.s32 $0x2, s8;
	v1 =	vcombine.low v1, v0  }
0xa: {  	_ =	strace $0x80000047;
	s11 =	sshll.u32 s4, $0x1;
	s10 =	sshrl.u32 s9, $0x1  }
0xb: {  	s8 =	sor.u32 s8, s11;
	s11 =	simm.s32 $0x2;
	s9 =	ssub.s32 s9, s10;
	v0 =	vand.u32 $0xF, v1  }
0xc: {  	s8 =	smul.u32 $0x2710, s8;
	s10 =	simm.s32 $0x50A0;
	s9 =	smax.u32 s9, $0x1;
	[tilespmem:$0x1FFF0] =	vst v0  }
.LBB2_1:
0xd: {  	[tilespmem:s10], [sflag:$0x2] =	stream.linear.gather [hbm4b:s2+s3], $0x80, $0x38;
	[tilespmem:$0x5180] =	vst v63  }
0xe: {  	_ =	swait.ge [sflag:s11], $0x80  }
0xf: {  	[sflag:s11] =	ssyncset.done $0x0  }
0x10: {  	[sflag:s11] =	ssyncadd.s32 $0xFFFFFF80  }
0x11: {  	v5 =	vld [tilespmem:$0x50F0]  }
0x12: {  	v4 =	vld [tilespmem:$0x50E0]  }
0x13: {  	v3 =	vld [tilespmem:$0x50D0]  }
0x14: {  	v1 =	vld [tilespmem:$0x50B0]  }
0x15: {  	v0 =	vld [tilespmem:$0x50A0]  }
0x16: {  	v2 =	vld [tilespmem:$0x50C0];
	[tilespmem:$0x1FF70] =	vst v5  }
0x17: {  	v6 =	vld [tilespmem:$0x5100];
	[tilespmem:$0x1FF80] =	vst v4  }
0x18: {  	v7 =	vld [tilespmem:$0x5110];
	[tilespmem:$0x1FF90] =	vst v3  }
0x19: {  	[tilespmem:$0x1FFA0] =	vst v1  }
0x1a: {  	[tilespmem:$0x1FFB0] =	vst v0  }
0x1b: {  	[tilespmem:$0x1FFC0] =	vst v2  }
0x1c: {  	[tilespmem:$0x1FFD0] =	vst v6  }
0x1d: {  	s19 =	simm.s32 $0x0;
	[tilespmem:$0x1FFE0] =	vst v7  }
.LBB2_2:
0x1e: {  	s20 =	smul.u32 $0x50, s19;
	_ =	sdelay $0x1  }
0x1f: {  	s20 =	sadd.s32 s8, s20  }
0x20: {  	s20 =	sshrl.u32 s20, $0x3  }
0x21: {  	s21 =	simm.s32 $0x0;
	s22 =	sadd.s32 s5, s20  }
0x22: {  	[tilespmem:s21], [sflag:$0x2] =	stream.linear.gather [hbm4b:s22+s21], $0x50, $0x38;
	[tilespmem:$0x5180] =	vst v63  }
0x23: {  	_ =	swait.ge [sflag:s11], $0x50  }
0x24: {  	[sflag:s11] =	ssyncset.done $0x0  }
0x25: {  	s31 =	sadd.s32 s6, s20;
	[sflag:s11] =	ssyncadd.s32 $0xFFFFFFB0  }
0x26: {  	[tilespmem:s12], [sflag:$0x2] =	stream.linear.gather [hbm4b:s31+s21], $0x50, $0x38;
	[tilespmem:$0x5180] =	vst v63  }
0x27: {  	_ =	swait.ge [sflag:s11], $0x50  }
0x28: {  	[sflag:s11] =	ssyncset.done $0x0  }
0x29: {  	[sflag:s11] =	ssyncadd.s32 $0xFFFFFFB0  }
0x2a: {  	[tilespmem:s13], [sflag:$0x1] =	stream.indirect.gather [hbm4b:s1+s12], $0x80, s21, s12, $0xb8;
	[tilespmem:$0x5180] =	vst v63  }
0x2b: {  	_ = 	snop  }
0x2c: {  	[tilespmem:s14], [sflag:$0x1] =	stream.indirect.gather [hbm4b:s1+s12], $0x80, s12, s12, $0xb8;
	[tilespmem:$0x5180] =	vst v63  }
0x2d: {  	_ =	swait.ge [sflag:s15], $0x2800  }
0x2e: {  	[sflag:s15] =	ssyncset.done $0x0  }
0x2f: {  	[sflag:s15] =	ssyncadd.s32 $0xFFFFD800  }
0x30: {  	_ =	swait.ge [sflag:s15], $0x2800  }
0x31: {  	[sflag:s15] =	ssyncset.done $0x0  }
0x32: {  	s23 =	simm.s32 $0x120;
	s22 =	simm.s32 $0x2920;
	[sflag:s15] =	ssyncadd.s32 $0xFFFFD800  }
.LBB2_3:
0x33: {  	v10 =	vld [tilespmem:s23+$0x70]  }
0x34: {  	v11 =	vld [tilespmem:s22+$0x70]  }
0x35: {  	v12 =	vld [tilespmem:s23+$0xFFFFFFF0]  }
0x36: {  	v13 =	vld [tilespmem:s22+$0xFFFFFFF0]  }
0x37: {  	v14 =	vld [tilespmem:s23+$0x60]  }
0x38: {  	v15 =	vld [tilespmem:s22+$0x60]  }
0x39: {  	v16 =	vld [tilespmem:s23+$0xFFFFFFE0]  }
0x3a: {  	v17 =	vld [tilespmem:s22+$0xFFFFFFE0]  }
0x3b: {  	v18 =	vld [tilespmem:s23+$0x50]  }
0x3c: {  	v19 =	vld [tilespmem:s22+$0x50]  }
0x3d: {  	v20 =	vld [tilespmem:s23+$0xFFFFFFD0]  }
0x3e: {  	v21 =	vld [tilespmem:s22+$0xFFFFFFD0]  }
0x3f: {  	v22 =	vld [tilespmem:s23+$0x40]  }
0x40: {  	v23 =	vld [tilespmem:s22+$0x40]  }
0x41: {  	v24 =	vld [tilespmem:s23+$0xFFFFFFC0]  }
0x42: {  	v25 =	vld [tilespmem:s22+$0xFFFFFFC0]  }
0x43: {  	v26 =	vld [tilespmem:s23+$0x30]  }
0x44: {  	v27 =	vld [tilespmem:s22+$0x30]  }
0x45: {  	v28 =	vld [tilespmem:s23+$0xFFFFFFB0]  }
0x46: {  	v29 =	vld [tilespmem:s22+$0xFFFFFFB0]  }
0x47: {  	v30 =	vld [tilespmem:s23+$0x20]  }
0x48: {  	v31 =	vld [tilespmem:s22+$0x20]  }
0x49: {  	v32 =	vld [tilespmem:s23+$0xFFFFFFA0]  }
0x4a: {  	v33 =	vld [tilespmem:s22+$0xFFFFFFA0]  }
0x4b: {  	v34 =	vld [tilespmem:s23+$0x10];
	v10 =	vsub.f32 v10, v11  }
0x4c: {  	v35 =	vld [tilespmem:s22+$0x10];
	v37 =	vsub.f32 v12, v13;
	v39 =	vsub.f32 v14, v15  }
0x4d: {  	v36 =	vld [tilespmem:s23+$0xFFFFFF90];
	v40 =	vsub.f32 v16, v17;
	v20 =	vsub.f32 v20, v21  }
0x4e: {  	v61 =	vld [tilespmem:s22+$0xFFFFFF90];
	v21 =	vsub.f32 v18, v19;
	v24 =	vsub.f32 v24, v25  }
0x4f: {  	v23 =	vsub.f32 v22, v23;
	v25 =	vsub.f32 v28, v29  }
0x50: {  	v26 =	vsub.f32 v26, v27;
	v27 =	vsub.f32 v30, v31  }
0x51: {  	v12 =	vld [tilespmem:s23+$0x0];
	v28 =	vsub.f32 v32, v33;
	v15 =	vmul.f32 $3.183098730e-01, v10;
	v17 =	vmul.f32 $3.183098730e-01, v37  }
0x52: {  	v13 =	vld [tilespmem:s22+$0x0];
	v31 =	vsub.f32 v34, v35;
	v18 =	vmul.f32 $3.183098730e-01, v39;
	v19 =	vmul.f32 $3.183098730e-01, v40  }
0x53: {  	v14 =	vld [tilespmem:s23+$0xFFFFFF80];
	v33 =	vsub.f32 v36, v61;
	v29 =	vmul.f32 $3.183098730e-01, v21;
	v30 =	vmul.f32 $3.183098730e-01, v20  }
0x54: {  	v16 =	vld [tilespmem:s22+$0xFFFFFF80];
	v62 =	vmul.f32 $3.183098730e-01, v23;
	v42 =	vadd.f32 $1.258291200e+07, v17;
	v38 =	vadd.f32 $1.258291200e+07, v15  }
0x55: {  	v63 =	vmul.f32 $3.183098730e-01, v24;
	v44 =	vadd.f32 $1.258291200e+07, v19;
	v46 =	vadd.f32 $1.258291200e+07, v18  }
0x56: {  	v4 =	vmul.f32 $3.183098730e-01, v26;
	v2 =	vadd.f32 $1.258291200e+07, v30;
	v43 =	vadd.f32 $1.258291200e+07, v29  }
0x57: {  	v5 =	vmul.f32 $3.183098730e-01, v25;
	v18 =	vadd.f32 $1.258291200e+07, v63;
	v47 =	vadd.f32 $1.258291200e+07, v62  }
0x58: {  	v15 =	vmul.f32 $3.183098730e-01, v31;
	v19 =	vadd.f32 $1.258291200e+07, v4;
	v36 =	vsub.f32 v12, v13  }
0x59: {  	v41 =	vsub.f32 v14, v16;
	v16 =	vadd.f32 $1.258291200e+07, v5  }
0x5a: {  	v15 =	vadd.f32 $1.258291200e+07, v15;
	v7 =	vadd.f32 $-1.258291200e+07, v44  }
0x5b: {  	v29 =	vmul.f32 $3.183098730e-01, v33;
	v8 =	vadd.f32 $-1.258291200e+07, v46;
	v9 =	vadd.f32 $-1.258291200e+07, v2  }
0x5c: {  	v13 =	vmul.f32 $3.183098730e-01, v28;
	v45 =	vadd.f32 $-1.258291200e+07, v43;
	v49 =	vadd.f32 $-1.258291200e+07, v47  }
0x5d: {  	v12 =	vmul.f32 $3.183098730e-01, v27;
	v52 =	vadd.f32 $-1.258291200e+07, v18;
	v54 =	vadd.f32 $-1.258291200e+07, v19  }
0x5e: {  	v30 =	vmul.f32 $3.183098730e-01, v36;
	v6 =	vmul.f32 $3.183098730e-01, v41;
	v14 =	vadd.f32 $1.258291200e+07, v13  }
0x5f: {  	v17 =	vadd.f32 $1.258291200e+07, v12;
	v51 =	vmul.f32 $8.742277650e-08, v8;
	v53 =	vmul.f32 $8.742277650e-08, v7  }
0x60: {  	v13 =	vadd.f32 $1.258291200e+07, v29;
	v55 =	vmul.f32 $8.742277650e-08, v45;
	v34 =	vmul.f32 $3.141592740e+00, v8  }
0x61: {  	v29 =	vadd.f32 $-1.258291200e+07, v42;
	v57 =	vmul.f32 $8.742277650e-08, v9;
	v32 =	vmul.f32 $3.141592740e+00, v7  }
0x62: {  	v56 =	vadd.f32 $-1.258291200e+07, v16;
	v59 =	vmul.f32 $8.742277650e-08, v49;
	v45 =	vmul.f32 $3.141592740e+00, v45  }
0x63: {  	v61 =	vmul.f32 $8.742277650e-08, v52;
	v35 =	vmul.f32 $3.141592740e+00, v9;
	v62 =	vadd.f32 $-1.258291200e+07, v15  }
0x64: {  	v49 =	vmul.f32 $3.141592740e+00, v49;
	v11 =	vmul.f32 $3.141592740e+00, v52;
	v0 =	vadd.f32 $1.258291200e+07, v6  }
0x65: {  	v1 =	vadd.f32 $1.258291200e+07, v30;
	v30 =	vadd.f32 $-1.258291200e+07, v38;
	v48 =	vmul.f32 $8.742277650e-08, v29  }
0x66: {  	v29 =	vmul.f32 $3.141592740e+00, v29;
	v58 =	vadd.f32 $-1.258291200e+07, v17;
	v60 =	vadd.f32 $-1.258291200e+07, v14  }
0x67: {  	v63 =	vadd.f32 $-1.258291200e+07, v13;
	v22 =	vmul.f32 $8.742277650e-08, v56;
	v34 =	vsub.f32 v39, v34  }
0x68: {  	v20 =	vsub.f32 v20, v35;
	v21 =	vsub.f32 v21, v45;
	v6 =	vmul.f32 $8.742277650e-08, v62  }
0x69: {  	v50 =	vmul.f32 $8.742277650e-08, v30;
	v30 =	vmul.f32 $3.141592740e+00, v30;
	v29 =	vsub.f32 v37, v29  }
0x6a: {  	v37 =	vmul.f32 $8.742277650e-08, v54;
	[tilespmem:$0x1FF50] =	vst v0;
	v39 =	vadd.f32 $-1.258291200e+07, v0;
	v0 =	vmul.f32 $3.141592740e+00, v56  }
0x6b: {  	v49 =	vsub.f32 v23, v49;
	v54 =	vmul.f32 $3.141592740e+00, v54;
	v3 =	vmul.f32 $3.141592740e+00, v60  }
0x6c: {  	v23 =	vmul.f32 $3.141592740e+00, v63;
	v10 =	vsub.f32 v10, v30;
	v30 =	vsub.f32 v40, v32  }
0x6d: {  	v4 =	vmul.f32 $8.742277650e-08, v58;
	v40 =	vadd.f32 $-1.258291200e+07, v1;
	v32 =	vsub.f32 v24, v11  }
0x6e: {  	[tilespmem:$0x1FF40] =	vst v1;
	v1 =	vmul.f32 $3.141592740e+00, v58;
	v52 =	vsub.f32 v25, v0;
	v54 =	vsub.f32 v26, v54  }
0x6f: {  	v24 =	vmul.f32 $3.141592740e+00, v62;
	v45 =	vsub.f32 v28, v3;
	v56 =	vsub.f32 v33, v23  }
0x70: {  	v25 =	vmul.f32 $3.141592740e+00, v39;
	v23 =	vadd.f32 v48, v29;
	v28 =	vadd.f32 v55, v21  }
0x71: {  	v5 =	vmul.f32 $8.742277650e-08, v60;
	v35 =	vsub.f32 v27, v1;
	v1 =	vsub.f32 v31, v24  }
0x72: {  	v7 =	vmul.f32 $8.742277650e-08, v63;
	v41 =	vsub.f32 v41, v25;
	v24 =	vadd.f32 v50, v10  }
0x73: {  	v39 =	vmul.f32 $8.742277650e-08, v39;
	v25 =	vadd.f32 v53, v30;
	v27 =	vadd.f32 v57, v20  }
0x74: {  	v26 =	vmul.f32 $3.141592740e+00, v40;
	v29 =	vadd.f32 v61, v32;
	v30 =	vadd.f32 v59, v49  }
0x75: {  	v57 =	vmul.f32 $8.742277650e-08, v40;
	v31 =	vadd.f32 v22, v52;
	v21 =	vadd.f32 v37, v54  }
0x76: {  	v49 =	vmul.f32 v23, v23;
	v54 =	vmul.f32 v28, v28;
	v36 =	vsub.f32 v36, v26  }
0x77: {  	v26 =	vadd.f32 v51, v34;
	v22 =	vmul.f32 v24, v24;
	v51 =	vmul.f32 v25, v25  }
0x78: {  	v55 =	vmul.f32 v27, v27;
	v32 =	vadd.f32 v6, v1;
	v1 =	vmul.f32 v30, v30  }
0x79: {  	v33 =	vadd.f32 v5, v45;
	v48 =	vmul.f32 v29, v29;
	v10 =	vmul.f32 v21, v21  }
0x7a: {  	v20 =	vadd.f32 v4, v35;
	v3 =	vmul.f32 $2.600052990e-06, v49;
	v60 =	vmul.f32 v31, v31  }
0x7b: {  	v35 =	vadd.f32 v7, v56;
	v62 =	vmul.f32 v33, v33;
	v9 =	vmul.f32 $2.600052990e-06, v54  }
0x7c: {  	v50 =	vmul.f32 v26, v26;
	v34 =	vadd.f32 v57, v36;
	v61 =	vmul.f32 v20, v20  }
0x7d: {  	v37 =	vmul.f32 v32, v32;
	v36 =	vadd.f32 v39, v41;
	v41 =	vmul.f32 v35, v35  }
0x7e: {  	v40 =	vadd.f32 $-1.980661180e-04, v3;
	v4 =	vmul.f32 $2.600052990e-06, v22;
	v5 =	vmul.f32 $2.600052990e-06, v51  }
0x7f: {  	v8 =	vmul.f32 $2.600052990e-06, v55;
	v11 =	vmul.f32 $2.600052990e-06, v1  }
0x80: {  	v58 =	vadd.f32 $-1.980661180e-04, v9;
	v3 =	vmul.f32 $2.600052990e-06, v10;
	v6 =	vmul.f32 v40, v49  }
0x81: {  	v40 =	vmul.f32 v34, v34;
	v45 =	vmul.f32 v36, v36;
	v39 =	vadd.f32 $-1.980661180e-04, v4  }
0x82: {  	v7 =	vmul.f32 $2.600052990e-06, v50;
	v52 =	vadd.f32 $-1.980661180e-04, v5;
	v58 =	vmul.f32 v58, v54  }
0x83: {  	v57 =	vadd.f32 $-1.980661180e-04, v8;
	v4 =	vmul.f32 $2.600052990e-06, v60;
	v39 =	vmul.f32 v39, v22  }
0x84: {  	v8 =	vadd.f32 $-1.980661180e-04, v3;
	v53 =	vadd.f32 $8.333017120e-03, v6;
	v52 =	vmul.f32 v52, v51  }
0x85: {  	v56 =	vadd.f32 $-1.980661180e-04, v7;
	v57 =	vmul.f32 v57, v55;
	v39 =	vadd.f32 $8.333017120e-03, v39  }
0x86: {  	v0 =	vadd.f32 $8.333017120e-03, v58;
	v53 =	vmul.f32 v53, v49;
	v52 =	vadd.f32 $8.333017120e-03, v52  }
0x87: {  	v56 =	vmul.f32 v56, v50;
	v57 =	vadd.f32 $8.333017120e-03, v57;
	v39 =	vmul.f32 v39, v22  }
0x88: {  	v6 =	vmul.f32 $2.600052990e-06, v62;
	v53 =	vadd.f32 $-1.666665670e-01, v53;
	v52 =	vmul.f32 v52, v51  }
0x89: {  	v56 =	vadd.f32 $8.333017120e-03, v56;
	v57 =	vmul.f32 v57, v55;
	v39 =	vadd.f32 $-1.666665670e-01, v39  }
0x8a: {  	v7 =	vmul.f32 $2.600052990e-06, v61;
	v59 =	vmul.f32 v53, v49;
	v52 =	vadd.f32 $-1.666665670e-01, v52  }
0x8b: {  	v56 =	vmul.f32 v56, v50;
	v5 =	vadd.f32 $-1.666665670e-01, v57;
	v53 =	vmul.f32 v39, v22  }
0x8c: {  	v49 =	vadd.f32 $-1.980661180e-04, v11;
	v22 =	vmul.f32 $2.600052990e-06, v48;
	v58 =	vmul.f32 v52, v51  }
0x8d: {  	v56 =	vadd.f32 $-1.666665670e-01, v56;
	v39 =	vmul.f32 v0, v54;
	v57 =	vmul.f32 v5, v55  }
0x8e: {  	v49 =	vmul.f32 v49, v1;
	v55 =	vadd.f32 $-1.980661180e-04, v6;
	v5 =	vmul.f32 $2.600052990e-06, v40  }
0x8f: {  	v22 =	vadd.f32 $-1.980661180e-04, v22;
	v52 =	vmul.f32 v56, v50;
	v39 =	vadd.f32 $-1.666665670e-01, v39  }
0x90: {  	v50 =	vadd.f32 $-1.980661180e-04, v4;
	v55 =	vmul.f32 v55, v62;
	v4 =	vmul.f32 $2.600052990e-06, v41  }
0x91: {  	v49 =	vadd.f32 $8.333017120e-03, v49;
	v22 =	vmul.f32 v22, v48;
	v51 =	vmul.f32 v39, v54  }
0x92: {  	v50 =	vmul.f32 v50, v60;
	v39 =	vadd.f32 $-1.980661180e-04, v7;
	v54 =	vmul.f32 v8, v10  }
0x93: {  	v49 =	vmul.f32 v49, v1;
	v55 =	vadd.f32 $8.333017120e-03, v55;
	v22 =	vadd.f32 $8.333017120e-03, v22  }
0x94: {  	v7 =	vmul.f32 $2.600052990e-06, v45;
	v50 =	vadd.f32 $8.333017120e-03, v50;
	v39 =	vmul.f32 v39, v61  }
0x95: {  	v54 =	vadd.f32 $8.333017120e-03, v54;
	v11 =	vmul.f32 v55, v62;
	v22 =	vmul.f32 v22, v48  }
0x96: {  	v49 =	vadd.f32 $-1.666665670e-01, v49;
	v50 =	vmul.f32 v50, v60;
	v39 =	vadd.f32 $8.333017120e-03, v39  }
0x97: {  	v9 =	vmul.f32 v54, v10;
	v6 =	vadd.f32 $-1.666665670e-01, v11;
	v22 =	vadd.f32 $-1.666665670e-01, v22  }
0x98: {  	v63 =	vadd.f32 $-1.666665670e-01, v50;
	v50 =	vmul.f32 v49, v1;
	v39 =	vmul.f32 v39, v61  }
0x99: {  	v49 =	vmul.f32 v6, v62;
	v1 =	vadd.f32 $-1.980661180e-04, v4;
	v4 =	vadd.f32 $-1.980661180e-04, v5  }
0x9a: {  	v5 =	vadd.f32 $-1.980661180e-04, v7;
	v56 =	vmul.f32 v22, v48;
	v22 =	vmul.f32 $2.600052990e-06, v37  }
0x9b: {  	v48 =	vadd.f32 $-1.666665670e-01, v9;
	v55 =	vmul.f32 v63, v60;
	v39 =	vadd.f32 $-1.666665670e-01, v39  }
0x9c: {  	v1 =	vmul.f32 v1, v41;
	v54 =	vmul.f32 v4, v40;
	v22 =	vadd.f32 $-1.980661180e-04, v22  }
0x9d: {  	v43 =	vshll.u32 v43, $0x1F;
	v62 =	vmul.f32 v5, v45;
	v60 =	vmul.f32 v48, v10  }
0x9e: {  	v6 =	vimm.f32 $0.0e+00;
	v48 =	vmul.f32 v39, v61;
	v7 =	vmul.f32 v22, v37  }
0x9f: {  	v39 =	vshll.u32 v42, $0x1F;
	v1 =	vadd.f32 $8.333017120e-03, v1;
	v8 =	vadd.f32 $8.333017120e-03, v54  }
0xa0: {  	v9 =	vadd.f32 $8.333017120e-03, v62;
	v42 =	vshll.u32 v44, $0x1F;
	v61 =	vadd.f32 $8.333017120e-03, v7  }
0xa1: {  	v44 =	vshll.u32 v47, $0x1F;
	v1 =	vmul.f32 v1, v41;
	v11 =	vmul.f32 v8, v40  }
0xa2: {  	v22 =	vshll.u32 v38, $0x1F;
	v54 =	vmul.f32 v9, v45;
	v10 =	vmul.f32 v61, v37  }
0xa3: {  	s25 =	simm.s32 $0x2;
	v38 =	vshll.u32 v46, $0x1F;
	v62 =	vadd.f32 $-1.666665670e-01, v1;
	v47 =	vadd.f32 $-1.666665670e-01, v11  }
0xa4: {  	s26 =	smov.u32 s23;
	s28 =	smov.u32 s22;
	s24 =	simm.s32 $0x0;
	[tilespmem:$0x1FF60] =	vst v6;
	v46 =	vshll.u32 v2, $0x1F;
	v63 =	vadd.f32 $-1.666665670e-01, v54;
	v61 =	vadd.f32 $-1.666665670e-01, v10  }
.LBB2_4:
0xa5: {  	v18 =	vshll.u32 v18, $0x1F  }
0xa6: {  	v19 =	vshll.u32 v19, $0x1F;
	v1 =	vmul.f32 v62, v41;
	v37 =	vmul.f32 v61, v37  }
0xa7: {  	v16 =	vshll.u32 v16, $0x1F;
	v7 =	vmul.f32 v63, v45;
	v40 =	vmul.f32 v47, v40  }
0xa8: {  	v17 =	vshll.u32 v17, $0x1F;
	v8 =	vmul.f32 v59, v23;
	v9 =	vmul.f32 v53, v24  }
0xa9: {  	v14 =	vshll.u32 v14, $0x1F;
	v10 =	vmul.f32 v58, v25;
	v52 =	vmul.f32 v52, v26  }
0xaa: {  	v15 =	vshll.u32 v15, $0x1F;
	v54 =	vmul.f32 v57, v27;
	v51 =	vmul.f32 v51, v28  }
0xab: {  	v13 =	vshll.u32 v13, $0x1F;
	v56 =	vmul.f32 v56, v29;
	v50 =	vmul.f32 v50, v30  }
0xac: {  	v55 =	vmul.f32 v55, v31;
	v11 =	vmul.f32 v60, v21;
	v23 =	vadd.f32 v8, v23  }
0xad: {  	v48 =	vmul.f32 v48, v20;
	v24 =	vadd.f32 v9, v24;
	v25 =	vadd.f32 v10, v25  }
0xae: {  	v0 =	vld [tilespmem:$0x1FF40];
	v49 =	vmul.f32 v49, v33;
	v26 =	vadd.f32 v52, v26;
	v27 =	vadd.f32 v54, v27  }
0xaf: {  	v37 =	vmul.f32 v37, v32;
	v28 =	vadd.f32 v51, v28;
	v29 =	vadd.f32 v56, v29  }
0xb0: {  	v1 =	vmul.f32 v1, v35;
	v30 =	vadd.f32 v50, v30;
	v31 =	vadd.f32 v55, v31  }
0xb1: {  	v21 =	vadd.f32 v11, v21;
	v41 =	vmul.f32 v7, v36;
	v33 =	vadd.f32 v49, v33  }
0xb2: {  	v40 =	vmul.f32 v40, v34;
	v20 =	vadd.f32 v48, v20;
	v1 =	vadd.f32 v1, v35  }
0xb3: {  	v12 =	vshll.u32 v0, $0x1F;
	v32 =	vadd.f32 v37, v32;
	v55 =	vadd.f32 v41, v36  }
0xb4: {  	v34 =	vadd.f32 v40, v34;
	v57 =	vxor.u32 v23, v39;
	v22 =	vxor.u32 v24, v22  }
0xb5: {  	v24 =	vshrl.u32 v24, $0x10;
	v58 =	vxor.u32 v25, v42;
	v23 =	vshrl.u32 v23, $0x10  }
0xb6: {  	v38 =	vxor.u32 v26, v38;
	v25 =	vshrl.u32 v25, $0x10;
	v59 =	vxor.u32 v28, v43  }
0xb7: {  	v26 =	vshrl.u32 v26, $0x10;
	v60 =	vxor.u32 v27, v46;
	v27 =	vshrl.u32 v27, $0x10  }
0xb8: {  	v28 =	vshrl.u32 v28, $0x10;
	v18 =	vxor.u32 v29, v18;
	v61 =	vxor.u32 v30, v44  }
0xb9: {  	v30 =	vshrl.u32 v30, $0x10;
	v16 =	vxor.u32 v31, v16;
	v29 =	vshrl.u32 v29, $0x10  }
0xba: {  	v19 =	vxor.u32 v21, v19;
	v31 =	vshrl.u32 v31, $0x10;
	v17 =	vxor.u32 v20, v17  }
0xbb: {  	v21 =	vshrl.u32 v21, $0x10;
	v14 =	vxor.u32 v33, v14;
	v33 =	vshrl.u32 v33, $0x10  }
0xbc: {  	v20 =	vshrl.u32 v20, $0x10;
	v24 =	vand.u32 $0x1, v24;
	v25 =	vand.u32 $0x1, v25  }
0xbd: {  	v23 =	vand.u32 $0x1, v23;
	v26 =	vand.u32 $0x1, v26;
	v27 =	vand.u32 $0x1, v27  }
0xbe: {  	v30 =	vand.u32 $0x1, v30;
	v28 =	vand.u32 $0x1, v28;
	v31 =	vand.u32 $0x1, v31  }
0xbf: {  	v29 =	vand.u32 $0x1, v29;
	v21 =	vand.u32 $0x1, v21;
	v33 =	vand.u32 $0x1, v33  }
0xc0: {  	v2 =	vld [tilespmem:$0x1FFB0];
	v20 =	vand.u32 $0x1, v20;
	v13 =	vxor.u32 v1, v13;
	v15 =	vxor.u32 v32, v15  }
0xc1: {  	v56 =	vld [tilespmem:$0x1FF50];
	v32 =	vshrl.u32 v32, $0x10;
	v1 =	vshrl.u32 v1, $0x10;
	v12 =	vxor.u32 v34, v12  }
0xc2: {  	s28 =	sadd.s32 $0x100, s28;
	v6 =	vld [tilespmem:$0x1FFC0];
	v35 =	vshrl.u32 v55, $0x10;
	v34 =	vshrl.u32 v34, $0x10;
	v23 =	vadd.s32 v23, v57  }
0xc3: {  	v62 =	vld [tilespmem:s28+$0x70];
	v26 =	vadd.s32 v26, v38;
	v22 =	vadd.s32 v24, v22;
	v27 =	vadd.s32 v27, v60  }
0xc4: {  	v63 =	vld [tilespmem:$0x1FFA0];
	v25 =	vadd.s32 v25, v58;
	v28 =	vadd.s32 v28, v59;
	v18 =	vadd.s32 v29, v18  }
0xc5: {  	s26 =	sadd.s32 $0x100, s26;
	v4 =	vld [tilespmem:s28+$0xFFFFFFD0];
	v19 =	vadd.s32 v21, v19;
	v21 =	vadd.s32 v30, v61;
	v14 =	vadd.s32 v33, v14  }
0xc6: {  	v5 =	vld [tilespmem:s26+$0x40];
	v16 =	vadd.s32 v31, v16;
	v17 =	vadd.s32 v20, v17;
	v11 =	vshll.u32 v56, $0x1F  }
0xc7: {  	v7 =	vld [tilespmem:s26+$0xFFFFFFC0];
	v32 =	vand.u32 $0x1, v32;
	v35 =	vand.u32 $0x1, v35;
	v1 =	vand.u32 $0x1, v1  }
0xc8: {  	v48 =	vld [tilespmem:s26+$0x30];
	v34 =	vand.u32 $0x1, v34;
	v20 =	vadd.s32 $0x7FFF, v26;
	v22 =	vadd.s32 $0x7FFF, v22  }
0xc9: {  	v49 =	vld [tilespmem:$0x1FF80];
	v27 =	vadd.s32 $0x7FFF, v27;
	v25 =	vadd.s32 $0x7FFF, v25;
	v28 =	vadd.s32 $0x7FFF, v28  }
0xca: {  	v51 =	vld [tilespmem:s26+$0xFFFFFFB0];
	v18 =	vadd.s32 $0x7FFF, v18;
	v21 =	vadd.s32 $0x7FFF, v21;
	v16 =	vadd.s32 $0x7FFF, v16  }
0xcb: {  	v52 =	vld [tilespmem:$0x1FF70];
	v19 =	vadd.s32 $0x7FFF, v19;
	v17 =	vadd.s32 $0x7FFF, v17;
	v14 =	vadd.s32 $0x7FFF, v14  }
0xcc: {  	v46 =	vld [tilespmem:$0x1FF90];
	v11 =	vxor.u32 v55, v11;
	v1 =	vadd.s32 v1, v13;
	v12 =	vadd.s32 v34, v12  }
0xcd: {  	v24 =	vld [tilespmem:s26+$0x70];
	v13 =	vadd.s32 v32, v15;
	v17 =	vand.u32 $0xFFFF0000, v17;
	v12 =	vadd.s32 $0x7FFF, v12  }
0xce: {  	v29 =	vld [tilespmem:s26+$0xFFFFFFF0];
	v11 =	vadd.s32 v35, v11;
	v13 =	vadd.s32 $0x7FFF, v13;
	v12 =	vand.u32 $0xFFFF0000, v12  }
0xcf: {  	v30 =	vld [tilespmem:s28+$0xFFFFFFF0];
	v1 =	vadd.s32 $0x7FFF, v1;
	v11 =	vadd.s32 $0x7FFF, v11;
	v12 =	vmul.f32 v12, v2  }
0xd0: {  	v31 =	vld [tilespmem:s26+$0xFFFFFFE0];
	v13 =	vand.u32 $0xFFFF0000, v13;
	v1 =	vand.u32 $0xFFFF0000, v1;
	v11 =	vand.u32 $0xFFFF0000, v11  }
0xd1: {  	v33 =	vld [tilespmem:s26+$0x50];
	v13 =	vmul.f32 v13, v63;
	v11 =	vmul.f32 v11, v2;
	v12 =	vadd.f32 $0.0e+00, v12  }
0xd2: {  	v57 =	vld [tilespmem:$0x1FFE0];
	v19 =	vand.u32 $0xFFFF0000, v19;
	v14 =	vand.u32 $0xFFFF0000, v14;
	v1 =	vmul.f32 v1, v63  }
0xd3: {  	v58 =	vld [tilespmem:s28+$0xFFFFFFA0];
	v11 =	vadd.f32 $0.0e+00, v11;
	v12 =	vadd.f32 v13, v12;
	v13 =	vmul.f32 v17, v6  }
0xd4: {  	v34 =	vld [tilespmem:s28+$0x50];
	v16 =	vand.u32 $0xFFFF0000, v16;
	v18 =	vand.u32 $0xFFFF0000, v18;
	v47 =	vmul.f32 v14, v6  }
0xd5: {  	v55 =	vld [tilespmem:$0x1FFD0];
	v1 =	vadd.f32 v1, v11;
	v12 =	vadd.f32 v13, v12;
	v13 =	vmul.f32 v19, v46  }
0xd6: {  	v14 =	vand.u32 $0xFFFF0000, v21;
	v50 =	vmul.f32 v16, v46;
	v16 =	vand.u32 $0xFFFF0000, v28;
	v17 =	vld [tilespmem:s28+$0x40]  }
0xd7: {  	v19 =	vld [tilespmem:s28+$0xFFFFFFC0];
	v1 =	vadd.f32 v47, v1;
	v12 =	vadd.f32 v13, v12;
	v13 =	vmul.f32 v14, v49  }
0xd8: {  	v26 =	vld [tilespmem:s28+$0x60];
	v53 =	vmul.f32 v18, v49;
	v18 =	vand.u32 $0xFFFF0000, v20;
	v20 =	vand.u32 $0xFFFF0000, v27  }
0xd9: {  	v32 =	vld [tilespmem:s28+$0xFFFFFFE0];
	v1 =	vadd.f32 v50, v1;
	v12 =	vadd.f32 v13, v12;
	v13 =	vmul.f32 v16, v52  }
0xda: {  	v56 =	vmul.f32 v20, v52;
	v20 =	vand.u32 $0xFFFF0000, v22;
	v27 =	vsub.f32 v33, v34;
	v14 =	vld [tilespmem:s28+$0x30]  }
0xdb: {  	v22 =	vld [tilespmem:s26+$0xFFFFFFA0];
	v1 =	vadd.f32 v53, v1;
	v12 =	vadd.f32 v13, v12;
	v13 =	vmul.f32 v18, v55  }
0xdc: {  	v21 =	vand.u32 $0xFFFF0000, v25;
	v28 =	vsub.f32 v5, v17;
	v16 =	vld [tilespmem:s28+$0xFFFFFFB0];
	v25 =	vsub.f32 v7, v19  }
0xdd: {  	v15 =	vld [tilespmem:s26+$0x60];
	v59 =	vmul.f32 v21, v55;
	v1 =	vadd.f32 v56, v1;
	v12 =	vadd.f32 v13, v12  }
0xde: {  	v35 =	vld [tilespmem:s26+$0xFFFFFFD0];
	v13 =	vmul.f32 v20, v57;
	v20 =	vadd.s32 $0x7FFF, v23;
	v23 =	vsub.f32 v29, v30  }
0xdf: {  	v54 =	vld [tilespmem:s26+$0x20];
	v29 =	vsub.f32 v48, v14;
	v21 =	vand.u32 $0xFFFF0000, v20;
	v20 =	vsub.f32 v24, v62  }
0xe0: {  	v63 =	vlaneseq.u32;
	v18 =	vld [tilespmem:s28+$0x20];
	v1 =	vadd.f32 v59, v1;
	v24 =	vsub.f32 v31, v32  }
0xe1: {  	v30 =	vsub.f32 v51, v16;
	v32 =	vsub.f32 v22, v58;
	v22 =	vmul.f32 $3.183098730e-01, v27  }
0xe2: {  	v12 =	vadd.f32 v13, v12;
	v61 =	vmul.f32 v21, v57;
	v21 =	vsub.f32 v15, v26  }
0xe3: {  	v60 =	vld [tilespmem:s26+$0x10];
	v15 =	vmov s24;
	v26 =	vsub.f32 v35, v4;
	v16 =	vmul.f32 $3.183098730e-01, v23  }
0xe4: {  	v19 =	vld [tilespmem:s28+$0x0];
	v7 =	vmul.f32 $3.183098730e-01, v29;
	vm0 =	veq.s32 v15, v63;
	v14 =	vmul.f32 $3.183098730e-01, v20  }
0xe5: {  	v13 =	vld [tilespmem:s28+$0x10];
	v31 =	vsub.f32 v54, v18;
	v18 =	vmul.f32 $3.183098730e-01, v24;
	v52 =	vmul.f32 $3.183098730e-01, v30  }
0xe6: {  	v4 =	vld [tilespmem:s26+$0x0];
	v43 =	vadd.f32 $1.258291200e+07, v22;
	v1 =	vadd.f32 v61, v1;
	v17 =	vmul.f32 $3.183098730e-01, v21  }
0xe7: {  	s29 =	sadd.s32 $0x1, s24;
	v5 =	vld [tilespmem:s26+$0xFFFFFF80];
	v6 =	vmul.f32 $3.183098730e-01, v26;
	v38 =	vadd.f32 $1.258291200e+07, v16;
	v57 =	vadd.f32 $1.258291200e+07, v14  }
0xe8: {  	v62 =	vld [tilespmem:s26+$0xFFFFFF90];
	v15 =	vmov s29;
	v42 =	vadd.f32 $1.258291200e+07, v18;
	v16 =	vadd.f32 $1.258291200e+07, v52  }
0xe9: {  	(xrf2) =	vadd.scan.msk.f32 $0xffff, v12;
	v12 =	vld [tilespmem:s28+$0xFFFFFF90];
	vm1 =	veq.s32 v15, v63;
	v46 =	vadd.f32 $1.258291200e+07, v17;
	v44 =	vadd.f32 $1.258291200e+07, v6  }
0xea: {  	v15 =	vld [tilespmem:s28+$0xFFFFFF80];
	v53 =	vmul.f32 $3.183098730e-01, v31;
	v61 =	vadd.f32 $-1.258291200e+07, v38;
	v34 =	vsub.f32 v60, v13  }
0xeb: {  	v39 =	vsub.f32 v4, v19;
	v19 =	vadd.f32 $1.258291200e+07, v7  }
0xec: {  	v13 =	vmul.f32 $3.183098730e-01, v28;
	v17 =	vadd.f32 $1.258291200e+07, v53;
	v63 =	vadd.f32 $-1.258291200e+07, v42  }
0xed: {  	v11 =	vadd.f32 $-1.258291200e+07, v16;
	v42 =	vshll.u32 v42, $0x1F;
	v2 =	vadd.f32 $-1.258291200e+07, v44  }
0xee: {  	v48 =	vmul.f32 $8.742277650e-08, v61;
	v33 =	vmul.f32 $3.141592740e+00, v61;
	v35 =	vsub.f32 v62, v12  }
0xef: {  	(xrf2) =	vadd.scan.msk.f32 $0xffff, v1;
	v12 =	vmul.f32 $3.183098730e-01, v25;
	v1 =	vsub.f32 v5, v15;
	v15 =	vmul.f32 $3.183098730e-01, v32  }
0xf0: {  	v54 =	vmul.f32 $3.183098730e-01, v34;
	v58 =	vmul.f32 $3.183098730e-01, v39;
	v47 =	vadd.f32 $1.258291200e+07, v13  }
0xf1: {  	v62 =	vadd.f32 $-1.258291200e+07, v57;
	v5 =	vadd.f32 $-1.258291200e+07, v43;
	v53 =	vmul.f32 $8.742277650e-08, v63  }
0xf2: {  	v37 =	vmul.f32 $3.141592740e+00, v63;
	v8 =	vadd.f32 $-1.258291200e+07, v17;
	v43 =	vshll.u32 v43, $0x1F  }
0xf3: {  	v41 =	vmul.f32 $3.141592740e+00, v2;
	v23 =	vsub.f32 v23, v33;
	v56 =	vmul.f32 $3.183098730e-01, v35  }
0xf4: {  	v59 =	vmul.f32 $3.183098730e-01, v1;
	v18 =	vadd.f32 $1.258291200e+07, v12;
	v3 =	vadd.f32 $1.258291200e+07, v58  }
0xf5: {  	v6 =	vadd.f32 $-1.258291200e+07, v47;
	v50 =	vmul.f32 $8.742277650e-08, v62;
	v37 =	vsub.f32 v24, v37  }
0xf6: {  	v36 =	vmul.f32 $3.141592740e+00, v62;
	v23 =	vadd.f32 v48, v23;
	v13 =	vadd.f32 $1.258291200e+07, v56  }
0xf7: {  	v45 =	vmul.f32 $3.141592740e+00, v5;
	v4 =	vadd.f32 $1.258291200e+07, v59;
	v7 =	vadd.f32 $-1.258291200e+07, v18  }
0xf8: {  	v56 =	vmul.f32 $8.742277650e-08, v5;
	v49 =	vmul.f32 $3.141592740e+00, v6;
	[tilespmem:$0x1FF40] =	vst v3;
	v3 =	vadd.f32 $-1.258291200e+07, v3;
	v55, _, _ =	vpop (xrf2)  }
0xf9: {  	v20 =	vsub.f32 v20, v36;
	v22 =	vbroadcast v55, $0xF;
	v61 =	vmul.f32 $8.742277650e-08, v7  }
0xfa: {  	v63 =	vadd.f32 $-1.258291200e+07, v13;
	v51 =	vmul.f32 $3.141592740e+00, v7;
	[tilespmem:$0x1FF50] =	vst v4;
	v4 =	vadd.f32 $-1.258291200e+07, v4  }
0xfb: {  	v60 =	vld [tilespmem:$0x1FF60];
	v55 =	vmul.f32 $3.141592740e+00, v11;
	v7 =	vsub.f32 v27, v45;
	v49 =	vsub.f32 v28, v49;
	v14, _, _ =	vpop (xrf2)  }
0xfc: {  	v12 =	vbroadcast v14, $0xF;
	v14 =	vadd.f32 $1.258291200e+07, v15;
	v15 =	vadd.f32 $1.258291200e+07, v54  }
0xfd: {  	v59 =	vmul.f32 v23, v23;
	v54 =	vadd.f32 $-1.258291200e+07, v19;
	v45 =	vsub.f32 v25, v51  }
0xfe: {  	v51 =	vsub.f32 v30, v55;
	v25 =	vmul.f32 $3.141592740e+00, v3;
	v27 =	vmul.f32 $3.141592740e+00, v4  }
0xff: {  	v3 =	vmul.f32 $8.742277650e-08, v3;
	v28 =	vadd.f32 v56, v7;
	v4 =	vmul.f32 $8.742277650e-08, v4  }
0x100: {  	v10 =	vsel vm0, v12, v60;
	v9 =	vadd.f32 $-1.258291200e+07, v14;
	v60 =	vmul.f32 $8.742277650e-08, v6  }
0x101: {  	v6 =	vsub.f32 v26, v41;
	v26 =	vmul.f32 $3.141592740e+00, v63;
	v1 =	vsub.f32 v1, v27  }
0x102: {  	v39 =	vsub.f32 v39, v25;
	v25 =	vadd.f32 v53, v37;
	v0 =	vsel vm1, v22, v10  }
0x103: {  	v22 =	vshll.u32 v57, $0x1F;
	v57 =	vmul.f32 $8.742277650e-08, v2;
	v2 =	vmul.f32 $8.742277650e-08, v11  }
0x104: {  	v10 =	vadd.f32 $-1.258291200e+07, v15;
	v11 =	vmul.f32 $3.141592740e+00, v8;
	v8 =	vmul.f32 $8.742277650e-08, v8  }
0x105: {  	[tilespmem:$0x1FF60] =	vst v0;
	v0 =	vadd.f32 $-1.258291200e+07, v46;
	v5 =	vmul.f32 $3.141592740e+00, v9;
	v35 =	vsub.f32 v35, v26  }
0x106: {  	v9 =	vmul.f32 $8.742277650e-08, v9;
	v30 =	vadd.f32 v60, v49;
	v58 =	vmul.f32 v25, v25  }
0x107: {  	v36 =	vadd.f32 v4, v1;
	v1 =	vmul.f32 $2.600052990e-06, v59;
	v24 =	vmul.f32 $3.141592740e+00, v10  }
0x108: {  	v33 =	vsub.f32 v31, v11;
	v10 =	vmul.f32 $8.742277650e-08, v10;
	v11 =	vmul.f32 $8.742277650e-08, v63  }
0x109: {  	v27 =	vadd.f32 v57, v6;
	v31 =	vadd.f32 v2, v51;
	v51 =	vmul.f32 v28, v28  }
0x10a: {  	v52 =	vmul.f32 $8.742277650e-08, v0;
	v40 =	vmul.f32 $3.141592740e+00, v0;
	v32 =	vsub.f32 v32, v5  }
0x10b: {  	v0 =	vmul.f32 $8.742277650e-08, v54;
	v1 =	vadd.f32 $-1.980661180e-04, v1;
	v34 =	vsub.f32 v34, v24  }
0x10c: {  	v54 =	vmul.f32 $3.141592740e+00, v54;
	v24 =	vadd.f32 v50, v20;
	v20 =	vadd.f32 v8, v33  }
0x10d: {  	v57 =	vmul.f32 v27, v27;
	v50 =	vmul.f32 v30, v30;
	v35 =	vadd.f32 v11, v35  }
0x10e: {  	v55 =	vmul.f32 v31, v31;
	v11 =	vmul.f32 $2.600052990e-06, v51;
	v21 =	vsub.f32 v21, v40  }
0x10f: {  	v54 =	vsub.f32 v29, v54;
	v29 =	vadd.f32 v61, v45;
	v45 =	vmul.f32 v36, v36  }
0x110: {  	v33 =	vadd.f32 v9, v32;
	v1 =	vmul.f32 v1, v59;
	v53 =	vmul.f32 v24, v24  }
0x111: {  	v32 =	vadd.f32 v10, v34;
	v34 =	vadd.f32 v3, v39;
	v48 =	vmul.f32 v20, v20  }
0x112: {  	v41 =	vmul.f32 v35, v35;
	v39 =	vshll.u32 v38, $0x1F;
	v38 =	vshll.u32 v46, $0x1F  }
0x113: {  	v10 =	vmul.f32 $2.600052990e-06, v58;
	v60 =	vmul.f32 $2.600052990e-06, v57;
	v46 =	vshll.u32 v44, $0x1F  }
0x114: {  	v61 =	vmul.f32 $2.600052990e-06, v50;
	v44 =	vshll.u32 v47, $0x1F;
	v47 =	vmul.f32 $2.600052990e-06, v55  }
0x115: {  	v4 =	vadd.f32 $-1.980661180e-04, v11;
	v26 =	vadd.f32 v52, v21;
	v56 =	vmul.f32 v29, v29  }
0x116: {  	v21 =	vadd.f32 v0, v54;
	v54 =	vmul.f32 v33, v33;
	v37 =	vmul.f32 v32, v32  }
0x117: {  	v1 =	vadd.f32 $8.333017120e-03, v1;
	v40 =	vmul.f32 v34, v34;
	v8 =	vmul.f32 $2.600052990e-06, v53  }
0x118: {  	v5 =	vmul.f32 $2.600052990e-06, v48;
	v3 =	vadd.f32 $-1.980661180e-04, v10;
	v10 =	vmul.f32 $2.600052990e-06, v45  }
0x119: {  	v60 =	vadd.f32 $-1.980661180e-04, v60;
	v4 =	vmul.f32 v4, v51;
	v52 =	vmul.f32 v26, v26  }
0x11a: {  	v61 =	vadd.f32 $-1.980661180e-04, v61;
	v49 =	vmul.f32 v21, v21;
	v62 =	vmul.f32 $2.600052990e-06, v56  }
0x11b: {  	v47 =	vadd.f32 $-1.980661180e-04, v47;
	v6 =	vmul.f32 $2.600052990e-06, v54;
	v1 =	vmul.f32 v1, v59  }
0x11c: {  	v0 =	vadd.f32 $-1.980661180e-04, v8;
	v7 =	vmul.f32 $2.600052990e-06, v37;
	v8 =	vmul.f32 $2.600052990e-06, v41  }
0x11d: {  	v5 =	vadd.f32 $-1.980661180e-04, v5;
	v3 =	vmul.f32 v3, v58;
	v60 =	vmul.f32 v60, v57  }
0x11e: {  	v61 =	vmul.f32 v61, v50;
	v10 =	vadd.f32 $-1.980661180e-04, v10;
	v47 =	vmul.f32 v47, v55  }
0x11f: {  	v4 =	vadd.f32 $8.333017120e-03, v4;
	v9 =	vmul.f32 $2.600052990e-06, v52;
	v62 =	vadd.f32 $-1.980661180e-04, v62  }
0x120: {  	v63 =	vmul.f32 $2.600052990e-06, v49;
	v6 =	vadd.f32 $-1.980661180e-04, v6;
	v1 =	vadd.f32 $-1.666665670e-01, v1  }
0x121: {  	v0 =	vmul.f32 v0, v53;
	v7 =	vadd.f32 $-1.980661180e-04, v7;
	v8 =	vadd.f32 $-1.980661180e-04, v8  }
0x122: {  	v5 =	vmul.f32 v5, v48;
	v3 =	vadd.f32 $8.333017120e-03, v3;
	v60 =	vadd.f32 $8.333017120e-03, v60  }
0x123: {  	v61 =	vadd.f32 $8.333017120e-03, v61;
	v10 =	vmul.f32 v10, v45;
	v47 =	vadd.f32 $8.333017120e-03, v47  }
0x124: {  	v4 =	vmul.f32 v4, v51;
	v2 =	vadd.f32 $-1.980661180e-04, v9;
	v9 =	vmul.f32 $2.600052990e-06, v40  }
0x125: {  	v63 =	vadd.f32 $-1.980661180e-04, v63;
	v62 =	vmul.f32 v62, v56;
	v6 =	vmul.f32 v6, v54  }
0x126: {  	v59 =	vmul.f32 v1, v59;
	v0 =	vadd.f32 $8.333017120e-03, v0;
	v7 =	vmul.f32 v7, v37  }
0x127: {  	v8 =	vmul.f32 v8, v41;
	v5 =	vadd.f32 $8.333017120e-03, v5;
	v3 =	vmul.f32 v3, v58  }
0x128: {  	v60 =	vmul.f32 v60, v57;
	v61 =	vmul.f32 v61, v50;
	v10 =	vadd.f32 $8.333017120e-03, v10  }
0x129: {  	v47 =	vmul.f32 v47, v55;
	v4 =	vadd.f32 $-1.666665670e-01, v4;
	v2 =	vmul.f32 v2, v52  }
0x12a: {  	v9 =	vadd.f32 $-1.980661180e-04, v9;
	v63 =	vmul.f32 v63, v49;
	v62 =	vadd.f32 $8.333017120e-03, v62  }
0x12b: {  	v6 =	vadd.f32 $8.333017120e-03, v6;
	v0 =	vmul.f32 v0, v53;
	v7 =	vadd.f32 $8.333017120e-03, v7  }
0x12c: {  	v8 =	vadd.f32 $8.333017120e-03, v8;
	v5 =	vmul.f32 v5, v48;
	v3 =	vadd.f32 $-1.666665670e-01, v3  }
0x12d: {  	v60 =	vadd.f32 $-1.666665670e-01, v60;
	v12 =	vadd.f32 $-1.666665670e-01, v61;
	v10 =	vmul.f32 v10, v45  }
0x12e: {  	v47 =	vadd.f32 $-1.666665670e-01, v47;
	v51 =	vmul.f32 v4, v51;
	v9 =	vmul.f32 v9, v40  }
0x12f: {  	v2 =	vadd.f32 $8.333017120e-03, v2;
	v62 =	vmul.f32 v62, v56;
	v6 =	vmul.f32 v6, v54  }
0x130: {  	v63 =	vadd.f32 $8.333017120e-03, v63;
	v7 =	vmul.f32 v7, v37;
	v8 =	vmul.f32 v8, v41  }
0x131: {  	v0 =	vadd.f32 $-1.666665670e-01, v0;
	v58 =	vmul.f32 v3, v58;
	v57 =	vmul.f32 v60, v57  }
0x132: {  	v5 =	vadd.f32 $-1.666665670e-01, v5;
	v50 =	vmul.f32 v12, v50;
	v55 =	vmul.f32 v47, v55  }
0x133: {  	p0 =	slt.u32 s25, $0xE;
	v2 =	vmul.f32 v2, v52;
	v9 =	vadd.f32 $8.333017120e-03, v9;
	v63 =	vmul.f32 v63, v49  }
.Ltmp0:
0x134: {  	v11 =	vadd.f32 $-1.666665670e-01, v62;
	v6 =	vadd.f32 $-1.666665670e-01, v6;
	v53 =	vmul.f32 v0, v53;
	(pc) =	sbr.rel @p0 .LBB2_4-.Ltmp0, $4  }
0x135: {  	v61 =	vadd.f32 $-1.666665670e-01, v7;
	v2 =	vadd.f32 $-1.666665670e-01, v2;
	v9 =	vmul.f32 v9, v40  }
0x136: {  	v62 =	vadd.f32 $-1.666665670e-01, v8;
	v48 =	vmul.f32 v5, v48;
	v63 =	vadd.f32 $-1.666665670e-01, v63  }
0x137: {  	v56 =	vmul.f32 v11, v56;
	v52 =	vmul.f32 v2, v52;
	v47 =	vadd.f32 $-1.666665670e-01, v9  }
0x138: {  	s24 =	smov.u32 s25;
	s25 =	sadd.s32 $0x2, s25;
	v60 =	vmul.f32 v63, v49;
	v63 =	vadd.f32 $-1.666665670e-01, v10;
	v49 =	vmul.f32 v6, v54  }
0x139: {  	v0 =	vmul.f32 v62, v41  }
0x13a: {  	v1 =	vshll.u32 v18, $0x1F;
	v2 =	vmul.f32 v61, v37;
	v4 =	vmul.f32 v47, v40  }
0x13b: {  	v5 =	vshll.u32 v19, $0x1F;
	v6 =	vmul.f32 v59, v23;
	v7 =	vshll.u32 v16, $0x1F  }
0x13c: {  	v8 =	vmul.f32 v53, v24;
	v9 =	vmul.f32 v58, v25;
	v10 =	vshll.u32 v17, $0x1F  }
0x13d: {  	v11 =	vmul.f32 v52, v26;
	v12 =	vmul.f32 v57, v27;
	v14 =	vshll.u32 v14, $0x1F  }
0x13e: {  	v47 =	vmul.f32 v56, v29;
	v15 =	vshll.u32 v15, $0x1F;
	v52 =	vmul.f32 v55, v31  }
0x13f: {  	v13 =	vshll.u32 v13, $0x1F;
	v54 =	vmul.f32 v48, v20;
	v3 =	vmul.f32 v63, v45  }
0x140: {  	v45 =	vmul.f32 v51, v28;
	v51 =	vmul.f32 v50, v30;
	v6 =	vadd.f32 v6, v23  }
0x141: {  	v53 =	vmul.f32 v60, v21;
	v8 =	vadd.f32 v8, v24;
	v9 =	vadd.f32 v9, v25  }
0x142: {  	v55 =	vmul.f32 v49, v33;
	v11 =	vadd.f32 v11, v26;
	v12 =	vadd.f32 v12, v27  }
0x143: {  	v2 =	vmul.f32 v2, v32;
	v17 =	vadd.f32 v47, v29;
	v19 =	vadd.f32 v52, v31  }
0x144: {  	v0 =	vmul.f32 v0, v35;
	v20 =	vadd.f32 v54, v20;
	v16 =	vadd.f32 v45, v28  }
0x145: {  	v4 =	vmul.f32 v4, v34;
	v18 =	vadd.f32 v51, v30;
	v21 =	vadd.f32 v53, v21  }
0x146: {  	v3 =	vmul.f32 v3, v36;
	v24 =	vadd.f32 v55, v33;
	v0 =	vadd.f32 v0, v35  }
0x147: {  	v56 =	vld [tilespmem:$0x1FF40];
	v2 =	vadd.f32 v2, v32;
	v4 =	vadd.f32 v4, v34;
	v58 =	vxor.u32 v6, v39  }
0x148: {  	v57 =	vld [tilespmem:$0x1FF50];
	v22 =	vxor.u32 v8, v22;
	v8 =	vshrl.u32 v8, $0x10;
	v59 =	vxor.u32 v9, v42  }
0x149: {  	v6 =	vshrl.u32 v6, $0x10;
	v60 =	vxor.u32 v11, v38;
	v9 =	vshrl.u32 v9, $0x10  }
0x14a: {  	v11 =	vshrl.u32 v11, $0x10;
	v62 =	vxor.u32 v12, v46;
	v12 =	vshrl.u32 v12, $0x10  }
0x14b: {  	v1 =	vxor.u32 v17, v1;
	v7 =	vxor.u32 v19, v7;
	v17 =	vshrl.u32 v17, $0x10  }
0x14c: {  	v19 =	vshrl.u32 v19, $0x10;
	v10 =	vxor.u32 v20, v10;
	v20 =	vshrl.u32 v20, $0x10  }
0x14d: {  	v23 =	vshll.u32 v56, $0x1F;
	v3 =	vadd.f32 v3, v36;
	v25 =	vshll.u32 v57, $0x1F  }
0x14e: {  	v61 =	vxor.u32 v16, v43;
	v16 =	vshrl.u32 v16, $0x10;
	v63 =	vxor.u32 v18, v44  }
0x14f: {  	v18 =	vshrl.u32 v18, $0x10;
	v5 =	vxor.u32 v21, v5;
	v21 =	vshrl.u32 v21, $0x10  }
0x150: {  	v14 =	vxor.u32 v24, v14;
	v24 =	vshrl.u32 v24, $0x10;
	v8 =	vand.u32 $0x1, v8  }
0x151: {  	v9 =	vand.u32 $0x1, v9;
	v6 =	vand.u32 $0x1, v6;
	v11 =	vand.u32 $0x1, v11  }
0x152: {  	v12 =	vand.u32 $0x1, v12;
	v19 =	vand.u32 $0x1, v19;
	v17 =	vand.u32 $0x1, v17  }
0x153: {  	v20 =	vand.u32 $0x1, v20;
	v13 =	vxor.u32 v0, v13;
	v15 =	vxor.u32 v2, v15  }
0x154: {  	v2 =	vshrl.u32 v2, $0x10;
	v0 =	vshrl.u32 v0, $0x10;
	v23 =	vxor.u32 v4, v23  }
0x155: {  	v4 =	vshrl.u32 v4, $0x10;
	v18 =	vand.u32 $0x1, v18;
	v16 =	vand.u32 $0x1, v16  }
0x156: {  	v21 =	vand.u32 $0x1, v21;
	v24 =	vand.u32 $0x1, v24;
	v6 =	vadd.s32 v6, v58  }
0x157: {  	v11 =	vadd.s32 v11, v60;
	v8 =	vadd.s32 v8, v22;
	v12 =	vadd.s32 v12, v62  }
0x158: {  	v9 =	vadd.s32 v9, v59;
	v1 =	vadd.s32 v17, v1;
	v7 =	vadd.s32 v19, v7  }
0x159: {  	v10 =	vadd.s32 v20, v10;
	v25 =	vxor.u32 v3, v25;
	v3 =	vshrl.u32 v3, $0x10  }
0x15a: {  	v2 =	vand.u32 $0x1, v2;
	v0 =	vand.u32 $0x1, v0;
	v4 =	vand.u32 $0x1, v4  }
0x15b: {  	v16 =	vadd.s32 v16, v61;
	v5 =	vadd.s32 v21, v5;
	v27 =	vadd.s32 v18, v63  }
0x15c: {  	v14 =	vadd.s32 v24, v14;
	v11 =	vadd.s32 $0x7FFF, v11;
	v8 =	vadd.s32 $0x7FFF, v8  }
0x15d: {  	v12 =	vadd.s32 $0x7FFF, v12;
	v7 =	vadd.s32 $0x7FFF, v7;
	v10 =	vadd.s32 $0x7FFF, v10  }
0x15e: {  	v30 =	vld [tilespmem:$0x1FFB0];
	v1 =	vadd.s32 $0x7FFF, v1;
	v45 =	vadd.s32 $0x7FFF, v9;
	v53 =	vadd.s32 $0x7FFF, v6  }
0x15f: {  	v3 =	vand.u32 $0x1, v3;
	v0 =	vadd.s32 v0, v13;
	v4 =	vadd.s32 v4, v23  }
0x160: {  	v31 =	vld [tilespmem:$0x1FFA0];
	v2 =	vadd.s32 v2, v15;
	v28 =	vadd.s32 $0x7FFF, v16;
	v29 =	vadd.s32 $0x7FFF, v27  }
0x161: {  	v5 =	vadd.s32 $0x7FFF, v5;
	v3 =	vadd.s32 v3, v25;
	v4 =	vadd.s32 $0x7FFF, v4  }
0x162: {  	v32 =	vld [tilespmem:$0x1FFC0];
	v14 =	vadd.s32 $0x7FFF, v14;
	v4 =	vand.u32 $0xFFFF0000, v4;
	v3 =	vadd.s32 $0x7FFF, v3  }
0x163: {  	v2 =	vadd.s32 $0x7FFF, v2;
	v4 =	vmul.f32 v4, v30;
	v3 =	vand.u32 $0xFFFF0000, v3  }
0x164: {  	v35 =	vld [tilespmem:$0x1FF90];
	v0 =	vadd.s32 $0x7FFF, v0;
	v2 =	vand.u32 $0xFFFF0000, v2;
	v3 =	vmul.f32 v3, v30  }
0x165: {  	v0 =	vand.u32 $0xFFFF0000, v0;
	v2 =	vmul.f32 v2, v31;
	v4 =	vadd.f32 $0.0e+00, v4  }
0x166: {  	v39 =	vld [tilespmem:$0x1FF80];
	v10 =	vand.u32 $0xFFFF0000, v10;
	v0 =	vmul.f32 v0, v31;
	v3 =	vadd.f32 $0.0e+00, v3  }
0x167: {  	v33 =	vmul.f32 v10, v32;
	v34 =	vand.u32 $0xFFFF0000, v14;
	v2 =	vadd.f32 v2, v4  }
0x168: {  	v43 =	vld [tilespmem:$0x1FF70];
	v5 =	vand.u32 $0xFFFF0000, v5;
	v37 =	vmul.f32 v34, v32;
	v0 =	vadd.f32 v0, v3  }
0x169: {  	v7 =	vand.u32 $0xFFFF0000, v7;
	v36 =	vmul.f32 v5, v35;
	v2 =	vadd.f32 v33, v2  }
0x16a: {  	v49 =	vld [tilespmem:$0x1FFD0];
	v38 =	vand.u32 $0xFFFF0000, v29;
	v41 =	vmul.f32 v7, v35;
	v0 =	vadd.f32 v37, v0  }
0x16b: {  	v1 =	vand.u32 $0xFFFF0000, v1;
	v40 =	vmul.f32 v38, v39;
	v2 =	vadd.f32 v36, v2  }
0x16c: {  	v54 =	vld [tilespmem:$0x1FFE0];
	v42 =	vand.u32 $0xFFFF0000, v28;
	v1 =	vmul.f32 v1, v39;
	v0 =	vadd.f32 v41, v0  }
0x16d: {  	v47 =	vand.u32 $0xFFFF0000, v12;
	v44 =	vmul.f32 v42, v43;
	v2 =	vadd.f32 v40, v2  }
0x16e: {  	v46 =	vand.u32 $0xFFFF0000, v11;
	v48 =	vmul.f32 v47, v43;
	v0 =	vadd.f32 v1, v0  }
0x16f: {  	v50 =	vmul.f32 v46, v49;
	v3 =	vand.u32 $0xFFFF0000, v45;
	v2 =	vadd.f32 v44, v2  }
0x170: {  	v51 =	vand.u32 $0xFFFF0000, v8;
	v52 =	vmul.f32 v3, v49;
	v0 =	vadd.f32 v48, v0  }
0x171: {  	v55 =	vmul.f32 v51, v54;
	v3 =	vand.u32 $0xFFFF0000, v53;
	v2 =	vadd.f32 v50, v2  }
0x172: {  	v56 =	vmul.f32 v3, v54;
	v0 =	vadd.f32 v52, v0  }
0x173: {  	v2 =	vadd.f32 v55, v2  }
0x174: {  	v0 =	vadd.f32 v56, v0  }
0x175: {  	(xrf2) =	vadd.scan.msk.f32 $0xffff, v2  }
0x176: {  	(xrf2) =	vadd.scan.msk.f32 $0xffff, v0;
	_ =	sdelay $0x6  }
0x177: {  	v62 =	vld [tilespmem:$0x1FF60]  }
0x178: {  	v63 =	vld [tilespmem:$0x1FFF0]  }
0x179: {  	v57, _, _ =	vpop (xrf2)  }
0x17a: {  	v58, _, _ =	vpop (xrf2)  }
0x17b: {  	s30 =	sadd.s32 $0x1, s24;
	v59 =	vmov s24;
	v60 =	vlaneseq.u32;
	v1 =	vbroadcast v58, $0xF  }
0x17c: {  	vm0 =	veq.s32 v59, v60;
	v61 =	vmov s30;
	v0 =	vbroadcast v57, $0xF  }
0x17d: {  	vm1 =	veq.s32 v61, v60;
	v1 =	vsel vm0, v1, v62  }
0x17e: {  	v0 =	vsel vm1, v0, v1  }
0x17f: {  	[tilespmem:$0x5170] =	vst v0  }
0x180: {  	v1 =	vld.idx.msk [tilespmem:v63+s16+$0x0], $0xffff;
	_ =	sdelay $0x4  }
0x181: {  	v0 =	vsub.f32 v1, v0;
	_ =	sdelay $0x1  }
0x182: {  	v0 =	vmul.f32 $1.442695020e+00, v0;
	_ =	sdelay $0x1  }
0x183: {  	(erf) = vpow2.f32 v0;
	_ =	sdelay $0x8  }
0x184: {  	v0 =	vpop (erf)  }
0x185: {  	v0 =	vadd.f32 $1.000000000e+00, v0;
	_ =	sdelay $0x1  }
0x186: {  	(erf) = vrcp.f32 v0;
	_ =	sdelay $0x3  }
0x187: {  	s31 =	sshll.u32 s21, $0x4;
	s21 =	sadd.s32 $0x1, s21  }
0x188: {  	p0 =	sne.s32 s21, $0x5  }
.Ltmp1:
0x189: {  	_ = 	snop;
	(pc) =	sbr.rel @p0 .LBB2_3-.Ltmp1, $3  }
0x18a: {  	_ =	sdelay $0x1  }
0x18b: {  	s24 =	sand.u32 $0x3FFFFFF0, s31;
	v0 =	vpop (erf)  }
0x18c: {  	s22 =	sadd.s32 $0x800, s22;
	s23 =	sadd.s32 $0x800, s23;
	[tilespmem:s24+$0x5120] =	vst v0  }
0x18d: {  	s19 =	sadd.s32 $0x1, s19  }
0x18e: {  	p0 =	sne.s32 s19, $0x7D  }
.Ltmp2:
0x18f: {  	s20 =	sadd.s32 s7, s20;
	(pc) =	sbr.rel @p0 .LBB2_2-.Ltmp2, $4  }
0x190: {  	[hbm4b:s20+s3] =	stream.linear.scatter [tilespmem:s17], [sflag:$0x2], $0x50, $0x38;
	[tilespmem:$0x5180] =	vst v63  }
0x191: {  	_ =	swait.ge [sflag:s11], $0x50  }
0x192: {  	[sflag:s11] =	ssyncset.done $0x0  }
0x193: {  	[sflag:s11] =	ssyncadd.s32 $0xFFFFFFB0  }
0x194: {  	s18 =	sadd.s32 $0x1, s18  }
0x195: {  	p0 =	sne.s32 s18, s9  }
.Ltmp3:
0x196: {  	_ = 	snop;
	(pc) =	sbr.rel @p0 .LBB2_1-.Ltmp3, $1  }
0x197: {  	_ =	sdelay $0x3  }
0x198: {  	_ =	sfence.sel $0x180000  }
0x199: {  	[bflag:$0x0] =	sbarrier.arrive $0xFFFF  }
0x19a: {  	p0 =	sne.s32 s4, $0x0;
	_ =	strace $0x90000047  }
0x19b: {  	s0 =	sadd.s32 @!p0 $0x100000, s0;
	[bflag:$0x2] =	sbarrier.arrive $0xFFFF  }
0x19c: {  	[sflag:s0] =	ssyncadd.tile.s32 @!p0 $0x1;
	_ =	shalt  }
.Lfunc_end2:
_tile_overlayer_lowered:
.L_overlay_start_2:
0x19d: {  	(tag) =	ssettag $0x2  }
0x19e: {  	s0 =	rddreg [dreg:$0x0];
	s2 =	stileid.u32  }
0x19f: {  	s1 =	rddreg [dreg:$0x1];
	p0 =	sne.s32 s2, $0x0  }
0x1a0: {  	s3 =	rddreg [dreg:$0x2];
	[bflag:$0x3] =	sbarrier.arrive $0xFFFF;
	s2 =	simm.s32 @!p0 $0x1C02  }
0x1a1: {  	[timem:s3], [sflag:s2] =	dma.local @!p0 [hbm:s0], s1  }
0x1a2: {  	s0 =	simm.s32 @!p0 $0x2  }
0x1a3: {  	_ =	swait.ge @!p0 [sflag:s0], s1  }
0x1a4: {  	s1 =	ssub.s32 @!p0 $0x0, s1;
	[sflag:s0] =	ssyncset.done @!p0 $0x0  }
0x1a5: {  	[sflag:s0] =	ssyncadd.s32 @!p0 s1  }
0x1a6: {  	[bflag:$0x3] =	sbarrier.arrive $0xFFFF  }
0x1a7: {  	_ =	shalt  }

</sc_bundles>
